<compile_context>
chip_gen: v7x
topology: tpu7x:2x2x1
jax: 0.10.2.dev20260603
libtpu: 0.0.44.dev20260713+nightly
codegen_flags: <defaults>
</compile_context>

<pallas_src>
import functools

import jax
import jax.numpy as jnp
from jax import lax
from jax.experimental import pallas as pl
from jax.experimental.pallas import tpu as pltpu
from jax.experimental.pallas import tpu_sc as plsc

N = 10000
E = 320000
D = 128
H = 128

ROWS = 1000
NTILES = 16
NCORES = 2
EPT = E // NTILES
K = 80
NCHUNK = EPT // K
EPW = E // (NTILES * NCORES)
NP = 10240
RPT = NP // NTILES



def _k1_body(x_ref, w1_ref, b1_ref, w2_ref, b2_ref, w3_ref, b3_ref, h_ref):
    x = x_ref[...]
    h = jnp.maximum(jnp.dot(x, w1_ref[...], preferred_element_type=jnp.float32) + b1_ref[...], 0.0)
    h = jnp.maximum(jnp.dot(h, w2_ref[...], preferred_element_type=jnp.float32) + b2_ref[...], 0.0)
    h_ref[...] = jnp.dot(h, w3_ref[...], preferred_element_type=jnp.float32) + b3_ref[...]


def _k1(x, W1, b1, W2, b2, W3, b3):
    return pl.pallas_call(
        _k1_body,
        grid=(N // ROWS,),
        in_specs=[
            pl.BlockSpec((ROWS, D), lambda i: (i, 0)),
            pl.BlockSpec((D, H), lambda i: (0, 0)),
            pl.BlockSpec((1, H), lambda i: (0, 0)),
            pl.BlockSpec((H, H), lambda i: (0, 0)),
            pl.BlockSpec((1, H), lambda i: (0, 0)),
            pl.BlockSpec((H, H), lambda i: (0, 0)),
            pl.BlockSpec((1, H), lambda i: (0, 0)),
        ],
        out_specs=pl.BlockSpec((ROWS, H), lambda i: (i, 0)),
        out_shape=jax.ShapeDtypeStruct((N, H), jnp.float32),
    )(x, W1, b1.reshape(1, H), W2, b2.reshape(1, H), W3, b3.reshape(1, H))



def _kdeg_body(dst_hbm, onecol_hbm, zeros_hbm, out_hbm, didx, onecol, deg_sh, sem):
    c = lax.axis_index("c")
    t = lax.axis_index("s")
    wid = c * NTILES + t

    pltpu.sync_copy(onecol_hbm, onecol)
    pltpu.sync_copy(zeros_hbm.at[pl.ds(t * RPT, RPT)], deg_sh.at[pl.ds(t * RPT, RPT)])
    plsc.subcore_barrier()

    def chunk(i, _):
        pltpu.sync_copy(dst_hbm.at[pl.ds(wid * EPW + i * K, K)], didx)
        pltpu.sync_copy(onecol, deg_sh.at[didx], add=True)
        return _
    lax.fori_loop(0, EPW // K, chunk, None)

    plsc.subcore_barrier()
    pltpu.sync_copy(deg_sh.at[pl.ds(t * RPT, RPT)], out_hbm.at[c, pl.ds(t * RPT, RPT)])


def _kdeg(dst):
    mesh = plsc.VectorSubcoreMesh(core_axis_name="c", subcore_axis_name="s")
    f = pl.kernel(
        _kdeg_body,
        out_type=jax.ShapeDtypeStruct((NCORES, NP, 16), jnp.float32),
        mesh=mesh,
        compiler_params=pltpu.CompilerParams(use_tc_tiling_on_sc=False, needs_layout_passes=False),
        scratch_types=[
            pltpu.VMEM((K,), jnp.int32),
            pltpu.VMEM((K, 16), jnp.float32),
            pltpu.VMEM_SHARED((NP, 16), jnp.float32),
            pltpu.SemaphoreType.DMA,
        ],
    )
    onecol = jnp.tile(jnp.eye(1, 16, dtype=jnp.float32), (K, 1))
    zeros = jnp.zeros((NP, 16), jnp.float32)
    return f(dst, onecol, zeros)



def _k1b_body(degp_ref, h_ref, dinv_ref, u_ref, hn_ref, inv_ref):
    deg = 1.0 + jnp.sum(degp_ref[0], axis=0)
    dinv = jax.lax.rsqrt(jnp.maximum(deg, 1e-12))
    dinv_ref[...] = dinv.reshape(1, 1, ROWS)
    h = h_ref[...]
    u_ref[...] = dinv[:, None] * h
    n2 = jnp.sum(h * h, axis=1)
    invn = jax.lax.rsqrt(jnp.maximum(n2, 1e-24))
    hn_ref[...] = invn[:, None] * h
    inv_ref[...] = invn.reshape(1, 1, ROWS)


def _k1b(degp_t, h):
    return pl.pallas_call(
        _k1b_body,
        grid=(N // ROWS,),
        in_specs=[
            pl.BlockSpec((1, NCORES, ROWS), lambda i: (i, 0, 0)),
            pl.BlockSpec((ROWS, H), lambda i: (i, 0)),
        ],
        out_specs=[
            pl.BlockSpec((1, 1, ROWS), lambda i: (i, 0, 0)),
            pl.BlockSpec((ROWS, H), lambda i: (i, 0)),
            pl.BlockSpec((ROWS, H), lambda i: (i, 0)),
            pl.BlockSpec((1, 1, ROWS), lambda i: (i, 0, 0)),
        ],
        out_shape=[
            jax.ShapeDtypeStruct((N // ROWS, 1, ROWS), jnp.float32),
            jax.ShapeDtypeStruct((N, H), jnp.float32),
            jax.ShapeDtypeStruct((N, H), jnp.float32),
            jax.ShapeDtypeStruct((N // ROWS, 1, ROWS), jnp.float32),
        ],
    )(degp_t, h)



def _kedge_body(h_hbm, hn_hbm, u_hbm, src_hbm, dst_hbm, beta_hbm,
                zrows_hbm, zden_hbm,
                out_hbm, den_hbm,
                betav, sidx, didx, rows_s, rows_n, pay, svals,
                acc, den_sh, sem_s, sem_d, sem_n, sem_s2, sem_d2, sem_n2):
    role = lax.axis_index("c")
    t = lax.axis_index("s")
    zero16 = jnp.zeros((16,), jnp.float32)
    iota16 = lax.iota(jnp.int32, 16)
    e0mask = (iota16 == 0).astype(jnp.float32)

    pltpu.sync_copy(beta_hbm, betav)
    pltpu.sync_copy(zrows_hbm.at[pl.ds(t * RPT, RPT)], acc.at[pl.ds(t * RPT, RPT)])
    pltpu.sync_copy(zden_hbm.at[pl.ds(t * RPT, RPT)], den_sh.at[pl.ds(t * RPT, RPT)])

    plsc.subcore_barrier()

    def chunk(i, _):
        base = t * EPT + i * K
        pltpu.sync_copy(src_hbm.at[pl.ds(base, K)], sidx)
        pltpu.sync_copy(dst_hbm.at[pl.ds(base, K)], didx)

        @pl.when(role == 0)
        def _r0():
            pltpu.async_copy(u_hbm.at[sidx], rows_s, sem_s).wait()
            pltpu.sync_copy(rows_s, acc.at[didx], add=True)

        @pl.when(role == 1)
        def _r1():
            KH = K // 2
            cps = []
            for lo, sem3 in ((0, (sem_s, sem_n, sem_d)),
                             (KH, (sem_s2, sem_n2, sem_d2))):
                sl = pl.ds(lo, KH)
                cps.append((
                    pltpu.async_copy(h_hbm.at[sidx.at[sl]], rows_s.at[sl], sem3[0]),
                    pltpu.async_copy(hn_hbm.at[sidx.at[sl]], rows_n.at[sl], sem3[1]),
                    pltpu.async_copy(hn_hbm.at[didx.at[sl]], pay.at[sl], sem3[2]),
                ))

            j16s = [jb * 16 + iota16 for jb in range(D // 16)]

            def edge(e, _1):
                e16 = jnp.full((16,), e, jnp.int32)
                q = zero16
                for jb in range(D // 16):
                    vn = plsc.load_gather(rows_n, [e16, j16s[jb]])
                    vd = plsc.load_gather(pay, [e16, j16s[jb]])
                    q = q + vn * vd
                qs = jnp.sum(q)
                s16 = jnp.exp(betav[...] * jnp.full((16,), qs))
                for jb in range(D // 16):
                    va = plsc.load_gather(rows_s, [e16, j16s[jb]])
                    plsc.store_scatter(pay, [e16, j16s[jb]], s16 * va)
                plsc.store_scatter(svals, [e16, iota16], s16 * e0mask)
                return _1

            for half in range(2):
                for cp in cps[half]:
                    cp.wait()
                lax.fori_loop(half * KH, (half + 1) * KH, edge, None)

            pltpu.sync_copy(pay, acc.at[didx], add=True)
            pltpu.sync_copy(svals, den_sh.at[didx], add=True)
        return _

    lax.fori_loop(0, NCHUNK, chunk, None)

    plsc.subcore_barrier()
    pltpu.sync_copy(acc.at[pl.ds(t * RPT, RPT)], out_hbm.at[role, pl.ds(t * RPT, RPT)])

    @pl.when(role == 1)
    def _fd():
        pltpu.sync_copy(den_sh.at[pl.ds(t * RPT, RPT)], den_hbm.at[pl.ds(t * RPT, RPT)])


def _kedge(h, hn, u, src, dst, beta16):
    mesh = plsc.VectorSubcoreMesh(core_axis_name="c", subcore_axis_name="s")
    f = pl.kernel(
        _kedge_body,
        out_type=[
            jax.ShapeDtypeStruct((NCORES, NP, D), jnp.float32),
            jax.ShapeDtypeStruct((NP, 16), jnp.float32),
        ],
        mesh=mesh,
        compiler_params=pltpu.CompilerParams(use_tc_tiling_on_sc=False, needs_layout_passes=False),
        scratch_types=[
            pltpu.VMEM((16,), jnp.float32),
            pltpu.VMEM((K,), jnp.int32),
            pltpu.VMEM((K,), jnp.int32),
            pltpu.VMEM((K, D), jnp.float32),
            pltpu.VMEM((K, D), jnp.float32),
            pltpu.VMEM((K, D), jnp.float32),
            pltpu.VMEM((K, 16), jnp.float32),
            pltpu.VMEM_SHARED((NP, D), jnp.float32),
            pltpu.VMEM_SHARED((NP, 16), jnp.float32),
            pltpu.SemaphoreType.DMA,
            pltpu.SemaphoreType.DMA,
            pltpu.SemaphoreType.DMA,
            pltpu.SemaphoreType.DMA,
            pltpu.SemaphoreType.DMA,
            pltpu.SemaphoreType.DMA,
        ],
    )
    zrows = jnp.zeros((NP, D), jnp.float32)
    zden = jnp.zeros((NP, 16), jnp.float32)
    return f(h, hn, u, src, dst, beta16, zrows, zden)



def _k2_body(h_ref, gs_ref, as_ref, den_ref, dinv_ref, beta_ref,
             wg1_ref, bg1_ref, wg2_ref, bg2_ref, wf_ref, bf_ref,
             wx_ref, bx_ref, wc1_ref, wc2_ref, bc_ref, out_ref):
    h = h_ref[...]
    dinv = dinv_ref[0, 0, :][:, None]
    beta = beta_ref[0, 0]
    sself = jnp.exp(beta)

    agg = dinv * gs_ref[...] + (dinv * dinv) * h
    h_a = jnp.dot(agg, wg1_ref[...], preferred_element_type=jnp.float32) + bg1_ref[...]
    h_b = jnp.dot(agg, wg2_ref[...], preferred_element_type=jnp.float32) + bg2_ref[...]
    h1 = (as_ref[...] + sself * h) / (den_ref[0, 0, :][:, None] + sself)

    pa = jnp.tanh(jnp.dot(h_a, wf_ref[...], preferred_element_type=jnp.float32) + bf_ref[...])
    pb = jnp.tanh(jnp.dot(h_b, wf_ref[...], preferred_element_type=jnp.float32) + bf_ref[...])
    xp = jnp.tanh(jnp.dot(h, wx_ref[...], preferred_element_type=jnp.float32) + bx_ref[...])
    la = jnp.sum(pa * xp, axis=1)
    lb = jnp.sum(pb * xp, axis=1)
    m = jnp.maximum(la, lb)
    wa = jnp.exp(la - m)
    wb = jnp.exp(lb - m)
    res = (h_a * wa[:, None] + h_b * wb[:, None]) / (wa + wb)[:, None]
    out_ref[...] = (jnp.dot(res, wc1_ref[...], preferred_element_type=jnp.float32)
                    + jnp.dot(h1, wc2_ref[...], preferred_element_type=jnp.float32)
                    + bc_ref[...])


def _k2(h, gcn_sum, agnn_sum, denT, dinvT, beta11,
        Wg1, bg1, Wg2, bg2, Wf, bf, Wx, bx, Wc1p, Wc2p, bcp):
    full = lambda i: (0, 0)
    return pl.pallas_call(
        _k2_body,
        grid=(N // ROWS,),
        in_specs=[
            pl.BlockSpec((ROWS, H), lambda i: (i, 0)),
            pl.BlockSpec((ROWS, H), lambda i: (i, 0)),
            pl.BlockSpec((ROWS, H), lambda i: (i, 0)),
            pl.BlockSpec((1, 1, ROWS), lambda i: (i, 0, 0)),
            pl.BlockSpec((1, 1, ROWS), lambda i: (i, 0, 0)),
            pl.BlockSpec((1, 1), full),
            pl.BlockSpec((H, H), full),
            pl.BlockSpec((1, H), full),
            pl.BlockSpec((H, H), full),
            pl.BlockSpec((1, H), full),
            pl.BlockSpec((H, H), full),
            pl.BlockSpec((1, H), full),
            pl.BlockSpec((H, H), full),
            pl.BlockSpec((1, H), full),
            pl.BlockSpec((H, 128), full),
            pl.BlockSpec((H, 128), full),
            pl.BlockSpec((1, 128), full),
        ],
        out_specs=pl.BlockSpec((ROWS, 128), lambda i: (i, 0)),
        out_shape=jax.ShapeDtypeStruct((N, 128), jnp.float32),
    )(h, gcn_sum, agnn_sum, denT, dinvT, beta11,
      Wg1, bg1.reshape(1, H), Wg2, bg2.reshape(1, H), Wf, bf.reshape(1, H),
      Wx, bx.reshape(1, H), Wc1p, Wc2p, bcp)



def kernel(x, edge_index, W1, b1, W2, b2, W3, b3, Wg1, bg1, Wg2, bg2, beta, Wf, bf, Wx, bx, Wc, bc):
    src = edge_index[0].astype(jnp.int32)
    dst = edge_index[1].astype(jnp.int32)

    h = _k1(x, W1, b1, W2, b2, W3, b3)
    degp = _kdeg(dst)[:, :N, 0]
    degp_t = degp.reshape(NCORES, N // ROWS, ROWS).transpose(1, 0, 2)
    dinvT, u, hn, _invT = _k1b(degp_t, h)

    beta16 = jnp.full((16,), beta, jnp.float32)
    acc, den = _kedge(h, hn, u, src, dst, beta16)

    gcn_sum = acc[0, :N]
    agnn_sum = acc[1, :N]
    denT = den[:N, 0].reshape(N // ROWS, 1, ROWS)

    Wcp = jnp.pad(Wc, ((0, 0), (0, 126)))
    bcp = jnp.pad(bc, (0, 126)).reshape(1, 128)
    out = _k2(h, gcn_sum, agnn_sum, denT, dinvT, jnp.full((1, 1), beta, jnp.float32),
              Wg1, bg1, Wg2, bg2, Wf, bf, Wx, bx, Wcp[:128], Wcp[128:], bcp)
    return out[:, :2]

# --- scband reference (transcript-rebuilt; emitter-appended) ---
"""Pipeline reference for scband-ahfan-88854283419927 (READ-ONLY COPY).

The authoritative reference and input builder live on the scoring server;
editing this copy changes nothing except your own understanding.
"""

import jax, jax.numpy as jnp
import numpy as np

N = 10000
E = 320000
D = 128
H = 128
C = 2


def _lin(k, fan_in, fan_out):
    return jax.random.normal(k, (fan_in, fan_out), jnp.float32) * (1.0 / np.sqrt(fan_in))


def setup_inputs(seed: int = 0):
    key = jax.random.key(seed)
    ks = jax.random.split(key, 16)
    inp = {}
    inp['x'] = jax.random.normal(ks[0], (N, D), jnp.float32)
    inp['edge_index'] = jax.random.randint(ks[1], (2, E), 0, N)
    inp['W1'] = _lin(ks[2], D, H); inp['b1'] = jnp.zeros((H,), jnp.float32)
    inp['W2'] = _lin(ks[3], H, H); inp['b2'] = jnp.zeros((H,), jnp.float32)
    inp['W3'] = _lin(ks[4], H, H); inp['b3'] = jnp.zeros((H,), jnp.float32)
    inp['Wg1'] = _lin(ks[5], H, H); inp['bg1'] = jnp.zeros((H,), jnp.float32)
    inp['Wg2'] = _lin(ks[6], H, H); inp['bg2'] = jnp.zeros((H,), jnp.float32)
    inp['beta'] = jnp.ones((), jnp.float32)
    inp['Wf'] = _lin(ks[7], H, H); inp['bf'] = jnp.zeros((H,), jnp.float32)
    inp['Wx'] = _lin(ks[8], H, H); inp['bx'] = jnp.zeros((H,), jnp.float32)
    inp['Wc'] = _lin(ks[9], 2 * H, C); inp['bc'] = jnp.zeros((C,), jnp.float32)
    return inp


def _add_self_loops(edge_index, n):
    loops = jnp.arange(n, dtype=edge_index.dtype)
    src = jnp.concatenate([edge_index[0], loops])
    dst = jnp.concatenate([edge_index[1], loops])
    return src, dst


def _gcn(x, src, dst, W, b, n):
    xw = x @ W
    deg = jnp.zeros((n,), jnp.float32).at[dst].add(1.0)
    dinv = jax.lax.rsqrt(jnp.maximum(deg, 1e-12))
    norm = dinv[src] * dinv[dst]
    out = jnp.zeros((n, xw.shape[1]), jnp.float32).at[dst].add(norm[:, None] * xw[src])
    return out + b


def _agnn(x, src, dst, beta, n):
    xn = x / jnp.clip(jnp.linalg.norm(x, axis=1, keepdims=True), 1e-12, None)
    e = beta * jnp.sum(xn[src] * xn[dst], axis=1)
    emax = jax.ops.segment_max(e, dst, num_segments=n)
    a = jnp.exp(e - emax[dst])
    denom = jax.ops.segment_sum(a, dst, num_segments=n)
    a = a / jnp.clip(denom[dst], 1e-12, None)
    return jnp.zeros((n, x.shape[1]), jnp.float32).at[dst].add(a[:, None] * x[src])


def _forward(x, edge_index, W1, b1, W2, b2, W3, b3, Wg1, bg1, Wg2, bg2, beta, Wf, bf, Wx, bx, Wc, bc):
    n = x.shape[0]
    src, dst = _add_self_loops(edge_index, n)
    h = jax.nn.relu(x @ W1 + b1)
    h = jax.nn.relu(h @ W2 + b2)
    h = h @ W3 + b3
    h_a = _gcn(h, src, dst, Wg1, bg1, n)
    h_b = _gcn(h, src, dst, Wg2, bg2, n)
    h1 = _agnn(h, src, dst, beta, n)
    h_filters = jnp.stack([h_a, h_b], axis=1)
    h_proj = jnp.tanh(h_filters @ Wf + bf)
    x_proj = jnp.tanh(h @ Wx + bx)[:, :, None]
    score_logit = jnp.einsum('nkh,nhl->nkl', h_proj, x_proj)
    soft = jax.nn.softmax(score_logit, axis=1)
    res = h_filters[:, 0, :] * soft[:, 0] + h_filters[:, 1, :] * soft[:, 1]
    res = jnp.concatenate([res, h1], axis=1)
    return res @ Wc + bc


def reference(x, edge_index, W1, b1, W2, b2, W3, b3, Wg1, bg1, Wg2, bg2, beta, Wf, bf, Wx, bx, Wc, bc):
    return _forward(x, edge_index, W1, b1, W2, b2, W3, b3, Wg1, bg1, Wg2, bg2, beta, Wf, bf, Wx, bx, Wc, bc)

if __name__ == "__main__":
    import jax
    _d = setup_inputs()
    print(jax.jit(kernel)(*tuple(_d.values())))

</pallas_src>

<mosaic_0001>
#map = affine_map<(d0, d1) -> (0)>
#map1 = affine_map<(d0, d1) -> (0, 0)>
#map2 = affine_map<(d0, d1) -> (0, 0, 0)>
module attributes {stable_mosaic.version = 14 : i64} {
  func.func @_kdeg_body(%arg0: i32, %arg1: i32, %arg2: memref<320000xi32, #tpu.memory_space<hbm>>, %arg3: memref<80x16xf32, #tpu.memory_space<hbm>>, %arg4: memref<10240x16xf32, #tpu.memory_space<hbm>>, %arg5: memref<2x10240x16xf32, #tpu.memory_space<hbm>>, %arg6: memref<80xi32, #tpu.memory_space<vmem>>, %arg7: memref<80x16xf32, #tpu.memory_space<vmem>>, %arg8: memref<10240x16xf32, #tpu.memory_space<vmem_shared>>, %arg9: memref<!tpu.dma_semaphore, #tpu.memory_space<semaphore_mem>>) attributes {dimension_semantics = [#tpu.dimension_semantics<core_parallel>, #tpu.dimension_semantics<subcore_parallel>], iteration_bounds = array<i64: 2, 16>, scalar_prefetch = 0 : i64, scratch_operands = 4 : i64, tpu.core_type = #tpu.core_type<sc_vector_subcore>, window_params = [{transform_indices = #map}, {transform_indices = #map1}, {transform_indices = #map1}, {transform_indices = #map2}]} {
    %mul3A = arith.constant 16 : i32
    %mul3A_0 = arith.muli %arg0, %mul3A : i32
    %add3A = arith.addi %mul3A_0, %arg1 : i32
    "tpu.region"() ({
      %run_scoped3A = tpu.sem_alloc : memref<!tpu.dma_semaphore, #tpu.memory_space<semaphore_mem>>
      tpu.enqueue_dma source(%arg3 : memref<80x16xf32, #tpu.memory_space<hbm>>) target(%arg7 : memref<80x16xf32, #tpu.memory_space<vmem>>) target_semaphore(%run_scoped3A : memref<!tpu.dma_semaphore, #tpu.memory_space<semaphore_mem>>)
      tpu.wait_dma2 semaphore(%run_scoped3A : memref<!tpu.dma_semaphore, #tpu.memory_space<semaphore_mem>>) src(%arg3 : memref<80x16xf32, #tpu.memory_space<hbm>>) dst(%arg7 : memref<80x16xf32, #tpu.memory_space<vmem>>)
      tpu.yield
    }) : () -> ()
    %mul3A_1 = arith.constant 640 : i32
    %mul3A_2 = arith.muli %arg1, %mul3A_1 : i32
    %mul3A_3 = arith.constant 640 : i32
    %mul3A_4 = arith.muli %arg1, %mul3A_3 : i32
    "tpu.region"() ({
      %run_scoped3A = tpu.sem_alloc : memref<!tpu.dma_semaphore, #tpu.memory_space<semaphore_mem>>
      %dma_start3A = arith.constant 0 : i32
      %dma_start3A_14 = tpu.memref_slice %arg8[%mul3A_4, %dma_start3A] : memref<10240x16xf32, #tpu.memory_space<vmem_shared>> -> memref<640x16xf32, #tpu.memory_space<vmem_shared>>
      %dma_start3A_15 = arith.constant 0 : i32
      %dma_start3A_16 = tpu.memref_slice %arg4[%mul3A_2, %dma_start3A_15] : memref<10240x16xf32, #tpu.memory_space<hbm>> -> memref<640x16xf32, #tpu.memory_space<hbm>>
      tpu.enqueue_dma source(%dma_start3A_16 : memref<640x16xf32, #tpu.memory_space<hbm>>) target(%dma_start3A_14 : memref<640x16xf32, #tpu.memory_space<vmem_shared>>) target_semaphore(%run_scoped3A : memref<!tpu.dma_semaphore, #tpu.memory_space<semaphore_mem>>)
      %dma_wait3A = arith.constant 0 : i32
      %dma_wait3A_17 = tpu.memref_slice %arg8[%mul3A_4, %dma_wait3A] : memref<10240x16xf32, #tpu.memory_space<vmem_shared>> -> memref<640x16xf32, #tpu.memory_space<vmem_shared>>
      %dma_wait3A_18 = arith.constant 0 : i32
      %dma_wait3A_19 = tpu.memref_slice %arg4[%mul3A_2, %dma_wait3A_18] : memref<10240x16xf32, #tpu.memory_space<hbm>> -> memref<640x16xf32, #tpu.memory_space<hbm>>
      tpu.wait_dma2 semaphore(%run_scoped3A : memref<!tpu.dma_semaphore, #tpu.memory_space<semaphore_mem>>) src(%dma_wait3A_19 : memref<640x16xf32, #tpu.memory_space<hbm>>) dst(%dma_wait3A_17 : memref<640x16xf32, #tpu.memory_space<vmem_shared>>)
      tpu.yield
    }) : () -> ()
    %barrier3A = arith.constant 0 : index
    tpu.barrier barrier_id(%barrier3A)
    %scan3A = arith.constant 0 : i32
    %scan3A_5 = arith.constant 125 : i32
    %scan3A_6 = arith.addi %scan3A, %scan3A_5 : i32
    %scan3A_7 = arith.constant 1 : i32
    scf.for %scan3A_14 = %scan3A to %scan3A_6 step %scan3A_7  : i32 {
      %mul3A_15 = arith.constant 10000 : i32
      %mul3A_16 = arith.muli %add3A, %mul3A_15 : i32
      %mul3A_17 = arith.constant 80 : i32
      %mul3A_18 = arith.muli %scan3A_14, %mul3A_17 : i32
      %add3A_19 = arith.addi %mul3A_16, %mul3A_18 : i32
      "tpu.region"() ({
        %run_scoped3A = tpu.sem_alloc : memref<!tpu.dma_semaphore, #tpu.memory_space<semaphore_mem>>
        %dma_start3A = tpu.memref_slice %arg2[%add3A_19] : memref<320000xi32, #tpu.memory_space<hbm>> -> memref<80xi32, #tpu.memory_space<hbm>>
        %dma_start3A_20 = tpu.memref_slice %arg2[%add3A_19] : memref<320000xi32, #tpu.memory_space<hbm>> -> memref<80xi32, #tpu.memory_space<hbm>>
        tpu.enqueue_dma source(%dma_start3A_20 : memref<80xi32, #tpu.memory_space<hbm>>) target(%arg6 : memref<80xi32, #tpu.memory_space<vmem>>) target_semaphore(%run_scoped3A : memref<!tpu.dma_semaphore, #tpu.memory_space<semaphore_mem>>)
        %dma_wait3A = tpu.memref_slice %arg2[%add3A_19] : memref<320000xi32, #tpu.memory_space<hbm>> -> memref<80xi32, #tpu.memory_space<hbm>>
        %dma_wait3A_21 = tpu.memref_slice %arg2[%add3A_19] : memref<320000xi32, #tpu.memory_space<hbm>> -> memref<80xi32, #tpu.memory_space<hbm>>
        tpu.wait_dma2 semaphore(%run_scoped3A : memref<!tpu.dma_semaphore, #tpu.memory_space<semaphore_mem>>) src(%dma_wait3A_21 : memref<80xi32, #tpu.memory_space<hbm>>) dst(%arg6 : memref<80xi32, #tpu.memory_space<vmem>>)
        tpu.yield
      }) : () -> ()
      "tpu.region"() ({
        %run_scoped3A = tpu.sem_alloc : memref<!tpu.dma_semaphore, #tpu.memory_space<semaphore_mem>>
        %dma_start3A = arith.constant 0 : i32
        %dma_start3A_20 = arith.constant 0 : i32
        %dma_start3A_21 = tpu.memref_slice %arg8[%dma_start3A, %dma_start3A_20] : memref<10240x16xf32, #tpu.memory_space<vmem_shared>> -> memref<10240x16xf32, #tpu.memory_space<vmem_shared>>
        tpu.enqueue_indirect_dma source(%arg7 : memref<80x16xf32, #tpu.memory_space<vmem>>) target(%dma_start3A_21 : memref<10240x16xf32, #tpu.memory_space<vmem_shared>>) offsets(%arg6 : memref<80xi32, #tpu.memory_space<vmem>>) semaphore(%run_scoped3A : memref<!tpu.dma_semaphore, #tpu.memory_space<semaphore_mem>>) {add = true}
        %dma_wait3A = arith.constant 0 : i32
        %dma_wait3A_22 = arith.constant 0 : i32
        %dma_wait3A_23 = tpu.memref_slice %arg8[%dma_wait3A, %dma_wait3A_22] : memref<10240x16xf32, #tpu.memory_space<vmem_shared>> -> memref<10240x16xf32, #tpu.memory_space<vmem_shared>>
        tpu.wait_indirect_dma semaphore(%run_scoped3A : memref<!tpu.dma_semaphore, #tpu.memory_space<semaphore_mem>>) src(%arg7 : memref<80x16xf32, #tpu.memory_space<vmem>>) dst(%dma_wait3A_23 : memref<10240x16xf32, #tpu.memory_space<vmem_shared>>)
        tpu.yield
      }) : () -> ()
    }
    %scan3A_8 = arith.constant 125 : i32
    %barrier3A_9 = arith.constant 0 : index
    tpu.barrier barrier_id(%barrier3A_9)
    %mul3A_10 = arith.constant 640 : i32
    %mul3A_11 = arith.muli %arg1, %mul3A_10 : i32
    %mul3A_12 = arith.constant 640 : i32
    %mul3A_13 = arith.muli %arg1, %mul3A_12 : i32
    "tpu.region"() ({
      %run_scoped3A = tpu.sem_alloc : memref<!tpu.dma_semaphore, #tpu.memory_space<semaphore_mem>>
      %dma_start3A = arith.constant 0 : i32
      %dma_start3A_14 = tpu.memref_slice %arg5[%arg0, %mul3A_13, %dma_start3A] : memref<2x10240x16xf32, #tpu.memory_space<hbm>> -> memref<1x640x16xf32, #tpu.memory_space<hbm>>
      %dma_start3A_15 = tpu.memref_squeeze %dma_start3A_14 : memref<1x640x16xf32, #tpu.memory_space<hbm>> -> memref<640x16xf32, #tpu.memory_space<hbm>>
      %dma_start3A_16 = arith.constant 0 : i32
      %dma_start3A_17 = tpu.memref_slice %arg8[%mul3A_11, %dma_start3A_16] : memref<10240x16xf32, #tpu.memory_space<vmem_shared>> -> memref<640x16xf32, #tpu.memory_space<vmem_shared>>
      tpu.enqueue_dma source(%dma_start3A_17 : memref<640x16xf32, #tpu.memory_space<vmem_shared>>) target(%dma_start3A_15 : memref<640x16xf32, #tpu.memory_space<hbm>>) target_semaphore(%run_scoped3A : memref<!tpu.dma_semaphore, #tpu.memory_space<semaphore_mem>>)
      %dma_wait3A = arith.constant 0 : i32
      %dma_wait3A_18 = tpu.memref_slice %arg5[%arg0, %mul3A_13, %dma_wait3A] : memref<2x10240x16xf32, #tpu.memory_space<hbm>> -> memref<1x640x16xf32, #tpu.memory_space<hbm>>
      %dma_wait3A_19 = tpu.memref_squeeze %dma_wait3A_18 : memref<1x640x16xf32, #tpu.memory_space<hbm>> -> memref<640x16xf32, #tpu.memory_space<hbm>>
      %dma_wait3A_20 = arith.constant 0 : i32
      %dma_wait3A_21 = tpu.memref_slice %arg8[%mul3A_11, %dma_wait3A_20] : memref<10240x16xf32, #tpu.memory_space<vmem_shared>> -> memref<640x16xf32, #tpu.memory_space<vmem_shared>>
      tpu.wait_dma2 semaphore(%run_scoped3A : memref<!tpu.dma_semaphore, #tpu.memory_space<semaphore_mem>>) src(%dma_wait3A_21 : memref<640x16xf32, #tpu.memory_space<vmem_shared>>) dst(%dma_wait3A_19 : memref<640x16xf32, #tpu.memory_space<hbm>>)
      tpu.yield
    }) : () -> ()
    return
  }
}

#map = affine_map<(d0, d1) -> (0, 0)>
#map1 = affine_map<(d0, d1) -> (0)>
#map2 = affine_map<(d0, d1) -> (0, 0, 0)>
module attributes {stable_mosaic.version = 14 : i64} {
  func.func @_kedge_body(%arg0: i32, %arg1: i32, %arg2: memref<10000x128xf32, #tpu.memory_space<hbm>>, %arg3: memref<10000x128xf32, #tpu.memory_space<hbm>>, %arg4: memref<10000x128xf32, #tpu.memory_space<hbm>>, %arg5: memref<320000xi32, #tpu.memory_space<hbm>>, %arg6: memref<320000xi32, #tpu.memory_space<hbm>>, %arg7: memref<16xf32, #tpu.memory_space<hbm>>, %arg8: memref<10240x128xf32, #tpu.memory_space<hbm>>, %arg9: memref<10240x16xf32, #tpu.memory_space<hbm>>, %arg10: memref<2x10240x128xf32, #tpu.memory_space<hbm>>, %arg11: memref<10240x16xf32, #tpu.memory_space<hbm>>, %arg12: memref<16xf32, #tpu.memory_space<vmem>>, %arg13: memref<80xi32, #tpu.memory_space<vmem>>, %arg14: memref<80xi32, #tpu.memory_space<vmem>>, %arg15: memref<80x128xf32, #tpu.memory_space<vmem>>, %arg16: memref<80x128xf32, #tpu.memory_space<vmem>>, %arg17: memref<80x128xf32, #tpu.memory_space<vmem>>, %arg18: memref<80x16xf32, #tpu.memory_space<vmem>>, %arg19: memref<10240x128xf32, #tpu.memory_space<vmem_shared>>, %arg20: memref<10240x16xf32, #tpu.memory_space<vmem_shared>>, %arg21: memref<!tpu.dma_semaphore, #tpu.memory_space<semaphore_mem>>, %arg22: memref<!tpu.dma_semaphore, #tpu.memory_space<semaphore_mem>>, %arg23: memref<!tpu.dma_semaphore, #tpu.memory_space<semaphore_mem>>, %arg24: memref<!tpu.dma_semaphore, #tpu.memory_space<semaphore_mem>>, %arg25: memref<!tpu.dma_semaphore, #tpu.memory_space<semaphore_mem>>, %arg26: memref<!tpu.dma_semaphore, #tpu.memory_space<semaphore_mem>>) attributes {dimension_semantics = [#tpu.dimension_semantics<core_parallel>, #tpu.dimension_semantics<subcore_parallel>], iteration_bounds = array<i64: 2, 16>, scalar_prefetch = 0 : i64, scratch_operands = 15 : i64, tpu.core_type = #tpu.core_type<sc_vector_subcore>, window_params = [{transform_indices = #map}, {transform_indices = #map}, {transform_indices = #map}, {transform_indices = #map1}, {transform_indices = #map1}, {transform_indices = #map1}, {transform_indices = #map}, {transform_indices = #map}, {transform_indices = #map2}, {transform_indices = #map}]} {
    %broadcast_in_dim3A = arith.constant 0.000000e+00 : f32
    %broadcast_in_dim3A_0 = vector.broadcast %broadcast_in_dim3A : f32 to vector<16xf32>
    %iota3A = tpu.iota {dimensions = array<i32: 0>} : vector<16xi32>
    %eq3A = arith.constant 0 : i32
    %eq3A_1 = vector.broadcast %eq3A : i32 to vector<16xi32>
    %eq3A_2 = arith.cmpi eq, %iota3A, %eq3A_1 : vector<16xi32>
    %convert_element_type3A = arith.extui %eq3A_2 : vector<16xi1> to vector<16xi32>
    %convert_element_type3A_3 = arith.sitofp %convert_element_type3A : vector<16xi32> to vector<16xf32>
    "tpu.region"() ({
      %run_scoped3A = tpu.sem_alloc : memref<!tpu.dma_semaphore, #tpu.memory_space<semaphore_mem>>
      tpu.enqueue_dma source(%arg7 : memref<16xf32, #tpu.memory_space<hbm>>) target(%arg12 : memref<16xf32, #tpu.memory_space<vmem>>) target_semaphore(%run_scoped3A : memref<!tpu.dma_semaphore, #tpu.memory_space<semaphore_mem>>)
      tpu.wait_dma2 semaphore(%run_scoped3A : memref<!tpu.dma_semaphore, #tpu.memory_space<semaphore_mem>>) src(%arg7 : memref<16xf32, #tpu.memory_space<hbm>>) dst(%arg12 : memref<16xf32, #tpu.memory_space<vmem>>)
      tpu.yield
    }) : () -> ()
    %mul3A = arith.constant 640 : i32
    %mul3A_4 = arith.muli %arg1, %mul3A : i32
    %mul3A_5 = arith.constant 640 : i32
    %mul3A_6 = arith.muli %arg1, %mul3A_5 : i32
    "tpu.region"() ({
      %run_scoped3A = tpu.sem_alloc : memref<!tpu.dma_semaphore, #tpu.memory_space<semaphore_mem>>
      %dma_start3A = arith.constant 0 : i32
      %dma_start3A_24 = tpu.memref_slice %arg19[%mul3A_6, %dma_start3A] : memref<10240x128xf32, #tpu.memory_space<vmem_shared>> -> memref<640x128xf32, #tpu.memory_space<vmem_shared>>
      %dma_start3A_25 = arith.constant 0 : i32
      %dma_start3A_26 = tpu.memref_slice %arg8[%mul3A_4, %dma_start3A_25] : memref<10240x128xf32, #tpu.memory_space<hbm>> -> memref<640x128xf32, #tpu.memory_space<hbm>>
      tpu.enqueue_dma source(%dma_start3A_26 : memref<640x128xf32, #tpu.memory_space<hbm>>) target(%dma_start3A_24 : memref<640x128xf32, #tpu.memory_space<vmem_shared>>) target_semaphore(%run_scoped3A : memref<!tpu.dma_semaphore, #tpu.memory_space<semaphore_mem>>)
      %dma_wait3A = arith.constant 0 : i32
      %dma_wait3A_27 = tpu.memref_slice %arg19[%mul3A_6, %dma_wait3A] : memref<10240x128xf32, #tpu.memory_space<vmem_shared>> -> memref<640x128xf32, #tpu.memory_space<vmem_shared>>
      %dma_wait3A_28 = arith.constant 0 : i32
      %dma_wait3A_29 = tpu.memref_slice %arg8[%mul3A_4, %dma_wait3A_28] : memref<10240x128xf32, #tpu.memory_space<hbm>> -> memref<640x128xf32, #tpu.memory_space<hbm>>
      tpu.wait_dma2 semaphore(%run_scoped3A : memref<!tpu.dma_semaphore, #tpu.memory_space<semaphore_mem>>) src(%dma_wait3A_29 : memref<640x128xf32, #tpu.memory_space<hbm>>) dst(%dma_wait3A_27 : memref<640x128xf32, #tpu.memory_space<vmem_shared>>)
      tpu.yield
    }) : () -> ()
    %mul3A_7 = arith.constant 640 : i32
    %mul3A_8 = arith.muli %arg1, %mul3A_7 : i32
    %mul3A_9 = arith.constant 640 : i32
    %mul3A_10 = arith.muli %arg1, %mul3A_9 : i32
    "tpu.region"() ({
      %run_scoped3A = tpu.sem_alloc : memref<!tpu.dma_semaphore, #tpu.memory_space<semaphore_mem>>
      %dma_start3A = arith.constant 0 : i32
      %dma_start3A_24 = tpu.memref_slice %arg20[%mul3A_10, %dma_start3A] : memref<10240x16xf32, #tpu.memory_space<vmem_shared>> -> memref<640x16xf32, #tpu.memory_space<vmem_shared>>
      %dma_start3A_25 = arith.constant 0 : i32
      %dma_start3A_26 = tpu.memref_slice %arg9[%mul3A_8, %dma_start3A_25] : memref<10240x16xf32, #tpu.memory_space<hbm>> -> memref<640x16xf32, #tpu.memory_space<hbm>>
      tpu.enqueue_dma source(%dma_start3A_26 : memref<640x16xf32, #tpu.memory_space<hbm>>) target(%dma_start3A_24 : memref<640x16xf32, #tpu.memory_space<vmem_shared>>) target_semaphore(%run_scoped3A : memref<!tpu.dma_semaphore, #tpu.memory_space<semaphore_mem>>)
      %dma_wait3A = arith.constant 0 : i32
      %dma_wait3A_27 = tpu.memref_slice %arg20[%mul3A_10, %dma_wait3A] : memref<10240x16xf32, #tpu.memory_space<vmem_shared>> -> memref<640x16xf32, #tpu.memory_space<vmem_shared>>
      %dma_wait3A_28 = arith.constant 0 : i32
      %dma_wait3A_29 = tpu.memref_slice %arg9[%mul3A_8, %dma_wait3A_28] : memref<10240x16xf32, #tpu.memory_space<hbm>> -> memref<640x16xf32, #tpu.memory_space<hbm>>
      tpu.wait_dma2 semaphore(%run_scoped3A : memref<!tpu.dma_semaphore, #tpu.memory_space<semaphore_mem>>) src(%dma_wait3A_29 : memref<640x16xf32, #tpu.memory_space<hbm>>) dst(%dma_wait3A_27 : memref<640x16xf32, #tpu.memory_space<vmem_shared>>)
      tpu.yield
    }) : () -> ()
    %barrier3A = arith.constant 0 : index
    tpu.barrier barrier_id(%barrier3A)
    %scan3A = arith.constant 0 : i32
    %scan3A_11 = arith.constant 250 : i32
    %scan3A_12 = arith.addi %scan3A, %scan3A_11 : i32
    %scan3A_13 = arith.constant 1 : i32
    scf.for %scan3A_24 = %scan3A to %scan3A_12 step %scan3A_13  : i32 {
      %mul3A_25 = arith.constant 20000 : i32
      %mul3A_26 = arith.muli %arg1, %mul3A_25 : i32
      %mul3A_27 = arith.constant 80 : i32
      %mul3A_28 = arith.muli %scan3A_24, %mul3A_27 : i32
      %add3A = arith.addi %mul3A_26, %mul3A_28 : i32
      "tpu.region"() ({
        %run_scoped3A = tpu.sem_alloc : memref<!tpu.dma_semaphore, #tpu.memory_space<semaphore_mem>>
        %dma_start3A = tpu.memref_slice %arg5[%add3A] : memref<320000xi32, #tpu.memory_space<hbm>> -> memref<80xi32, #tpu.memory_space<hbm>>
        %dma_start3A_39 = tpu.memref_slice %arg5[%add3A] : memref<320000xi32, #tpu.memory_space<hbm>> -> memref<80xi32, #tpu.memory_space<hbm>>
        tpu.enqueue_dma source(%dma_start3A_39 : memref<80xi32, #tpu.memory_space<hbm>>) target(%arg13 : memref<80xi32, #tpu.memory_space<vmem>>) target_semaphore(%run_scoped3A : memref<!tpu.dma_semaphore, #tpu.memory_space<semaphore_mem>>)
        %dma_wait3A = tpu.memref_slice %arg5[%add3A] : memref<320000xi32, #tpu.memory_space<hbm>> -> memref<80xi32, #tpu.memory_space<hbm>>
        %dma_wait3A_40 = tpu.memref_slice %arg5[%add3A] : memref<320000xi32, #tpu.memory_space<hbm>> -> memref<80xi32, #tpu.memory_space<hbm>>
        tpu.wait_dma2 semaphore(%run_scoped3A : memref<!tpu.dma_semaphore, #tpu.memory_space<semaphore_mem>>) src(%dma_wait3A_40 : memref<80xi32, #tpu.memory_space<hbm>>) dst(%arg13 : memref<80xi32, #tpu.memory_space<vmem>>)
        tpu.yield
      }) : () -> ()
      "tpu.region"() ({
        %run_scoped3A = tpu.sem_alloc : memref<!tpu.dma_semaphore, #tpu.memory_space<semaphore_mem>>
        %dma_start3A = tpu.memref_slice %arg6[%add3A] : memref<320000xi32, #tpu.memory_space<hbm>> -> memref<80xi32, #tpu.memory_space<hbm>>
        %dma_start3A_39 = tpu.memref_slice %arg6[%add3A] : memref<320000xi32, #tpu.memory_space<hbm>> -> memref<80xi32, #tpu.memory_space<hbm>>
        tpu.enqueue_dma source(%dma_start3A_39 : memref<80xi32, #tpu.memory_space<hbm>>) target(%arg14 : memref<80xi32, #tpu.memory_space<vmem>>) target_semaphore(%run_scoped3A : memref<!tpu.dma_semaphore, #tpu.memory_space<semaphore_mem>>)
        %dma_wait3A = tpu.memref_slice %arg6[%add3A] : memref<320000xi32, #tpu.memory_space<hbm>> -> memref<80xi32, #tpu.memory_space<hbm>>
        %dma_wait3A_40 = tpu.memref_slice %arg6[%add3A] : memref<320000xi32, #tpu.memory_space<hbm>> -> memref<80xi32, #tpu.memory_space<hbm>>
        tpu.wait_dma2 semaphore(%run_scoped3A : memref<!tpu.dma_semaphore, #tpu.memory_space<semaphore_mem>>) src(%dma_wait3A_40 : memref<80xi32, #tpu.memory_space<hbm>>) dst(%arg14 : memref<80xi32, #tpu.memory_space<vmem>>)
        tpu.yield
      }) : () -> ()
      %eq3A_29 = arith.constant 0 : i32
      %eq3A_30 = arith.cmpi eq, %arg0, %eq3A_29 : i32
      %convert_element_type3A_31 = arith.extui %eq3A_30 : i1 to i32
      %cond3A_32 = arith.constant 0 : i32
      %cond3A_33 = arith.cmpi ne, %convert_element_type3A_31, %cond3A_32 : i32
      scf.if %cond3A_33 {
        %dma_start3A = arith.constant 0 : i32
        %dma_start3A_39 = arith.constant 0 : i32
        %dma_start3A_40 = tpu.memref_slice %arg4[%dma_start3A, %dma_start3A_39] : memref<10000x128xf32, #tpu.memory_space<hbm>> -> memref<10000x128xf32, #tpu.memory_space<hbm>>
        tpu.enqueue_indirect_dma source(%dma_start3A_40 : memref<10000x128xf32, #tpu.memory_space<hbm>>) target(%arg15 : memref<80x128xf32, #tpu.memory_space<vmem>>) offsets(%arg13 : memref<80xi32, #tpu.memory_space<vmem>>) semaphore(%arg21 : memref<!tpu.dma_semaphore, #tpu.memory_space<semaphore_mem>>)
        %dma_wait3A = arith.constant 0 : i32
        %dma_wait3A_41 = arith.constant 0 : i32
        %dma_wait3A_42 = tpu.memref_slice %arg4[%dma_wait3A, %dma_wait3A_41] : memref<10000x128xf32, #tpu.memory_space<hbm>> -> memref<10000x128xf32, #tpu.memory_space<hbm>>
        tpu.wait_indirect_dma semaphore(%arg21 : memref<!tpu.dma_semaphore, #tpu.memory_space<semaphore_mem>>) src(%dma_wait3A_42 : memref<10000x128xf32, #tpu.memory_space<hbm>>) dst(%arg15 : memref<80x128xf32, #tpu.memory_space<vmem>>)
        "tpu.region"() ({
          %run_scoped3A = tpu.sem_alloc : memref<!tpu.dma_semaphore, #tpu.memory_space<semaphore_mem>>
          %dma_start3A_43 = arith.constant 0 : i32
          %dma_start3A_44 = arith.constant 0 : i32
          %dma_start3A_45 = tpu.memref_slice %arg19[%dma_start3A_43, %dma_start3A_44] : memref<10240x128xf32, #tpu.memory_space<vmem_shared>> -> memref<10240x128xf32, #tpu.memory_space<vmem_shared>>
          tpu.enqueue_indirect_dma source(%arg15 : memref<80x128xf32, #tpu.memory_space<vmem>>) target(%dma_start3A_45 : memref<10240x128xf32, #tpu.memory_space<vmem_shared>>) offsets(%arg14 : memref<80xi32, #tpu.memory_space<vmem>>) semaphore(%run_scoped3A : memref<!tpu.dma_semaphore, #tpu.memory_space<semaphore_mem>>) {add = true}
          %dma_wait3A_46 = arith.constant 0 : i32
          %dma_wait3A_47 = arith.constant 0 : i32
          %dma_wait3A_48 = tpu.memref_slice %arg19[%dma_wait3A_46, %dma_wait3A_47] : memref<10240x128xf32, #tpu.memory_space<vmem_shared>> -> memref<10240x128xf32, #tpu.memory_space<vmem_shared>>
          tpu.wait_indirect_dma semaphore(%run_scoped3A : memref<!tpu.dma_semaphore, #tpu.memory_space<semaphore_mem>>) src(%arg15 : memref<80x128xf32, #tpu.memory_space<vmem>>) dst(%dma_wait3A_48 : memref<10240x128xf32, #tpu.memory_space<vmem_shared>>)
          tpu.yield
        }) : () -> ()
      } else {
      }
      %eq3A_34 = arith.constant 1 : i32
      %eq3A_35 = arith.cmpi eq, %arg0, %eq3A_34 : i32
      %convert_element_type3A_36 = arith.extui %eq3A_35 : i1 to i32
      %cond3A_37 = arith.constant 0 : i32
      %cond3A_38 = arith.cmpi ne, %convert_element_type3A_36, %cond3A_37 : i32
      scf.if %cond3A_38 {
        %dma_start3A = arith.constant 0 : i32
        %dma_start3A_39 = arith.constant 0 : i32
        %dma_start3A_40 = tpu.memref_slice %arg15[%dma_start3A, %dma_start3A_39] : memref<80x128xf32, #tpu.memory_space<vmem>> -> memref<40x128xf32, #tpu.memory_space<vmem>>
        %dma_start3A_41 = arith.constant 0 : i32
        %dma_start3A_42 = tpu.memref_slice %arg13[%dma_start3A_41] : memref<80xi32, #tpu.memory_space<vmem>> -> memref<40xi32, #tpu.memory_space<vmem>>
        %dma_start3A_43 = arith.constant 0 : i32
        %dma_start3A_44 = arith.constant 0 : i32
        %dma_start3A_45 = tpu.memref_slice %arg2[%dma_start3A_43, %dma_start3A_44] : memref<10000x128xf32, #tpu.memory_space<hbm>> -> memref<10000x128xf32, #tpu.memory_space<hbm>>
        tpu.enqueue_indirect_dma source(%dma_start3A_45 : memref<10000x128xf32, #tpu.memory_space<hbm>>) target(%dma_start3A_40 : memref<40x128xf32, #tpu.memory_space<vmem>>) offsets(%dma_start3A_42 : memref<40xi32, #tpu.memory_space<vmem>>) semaphore(%arg21 : memref<!tpu.dma_semaphore, #tpu.memory_space<semaphore_mem>>)
        %dma_start3A_46 = arith.constant 0 : i32
        %dma_start3A_47 = arith.constant 0 : i32
        %dma_start3A_48 = tpu.memref_slice %arg16[%dma_start3A_46, %dma_start3A_47] : memref<80x128xf32, #tpu.memory_space<vmem>> -> memref<40x128xf32, #tpu.memory_space<vmem>>
        %dma_start3A_49 = arith.constant 0 : i32
        %dma_start3A_50 = tpu.memref_slice %arg13[%dma_start3A_49] : memref<80xi32, #tpu.memory_space<vmem>> -> memref<40xi32, #tpu.memory_space<vmem>>
        %dma_start3A_51 = arith.constant 0 : i32
        %dma_start3A_52 = arith.constant 0 : i32
        %dma_start3A_53 = tpu.memref_slice %arg3[%dma_start3A_51, %dma_start3A_52] : memref<10000x128xf32, #tpu.memory_space<hbm>> -> memref<10000x128xf32, #tpu.memory_space<hbm>>
        tpu.enqueue_indirect_dma source(%dma_start3A_53 : memref<10000x128xf32, #tpu.memory_space<hbm>>) target(%dma_start3A_48 : memref<40x128xf32, #tpu.memory_space<vmem>>) offsets(%dma_start3A_50 : memref<40xi32, #tpu.memory_space<vmem>>) semaphore(%arg23 : memref<!tpu.dma_semaphore, #tpu.memory_space<semaphore_mem>>)
        %dma_start3A_54 = arith.constant 0 : i32
        %dma_start3A_55 = arith.constant 0 : i32
        %dma_start3A_56 = tpu.memref_slice %arg17[%dma_start3A_54, %dma_start3A_55] : memref<80x128xf32, #tpu.memory_space<vmem>> -> memref<40x128xf32, #tpu.memory_space<vmem>>
        %dma_start3A_57 = arith.constant 0 : i32
        %dma_start3A_58 = tpu.memref_slice %arg14[%dma_start3A_57] : memref<80xi32, #tpu.memory_space<vmem>> -> memref<40xi32, #tpu.memory_space<vmem>>
        %dma_start3A_59 = arith.constant 0 : i32
        %dma_start3A_60 = arith.constant 0 : i32
        %dma_start3A_61 = tpu.memref_slice %arg3[%dma_start3A_59, %dma_start3A_60] : memref<10000x128xf32, #tpu.memory_space<hbm>> -> memref<10000x128xf32, #tpu.memory_space<hbm>>
        tpu.enqueue_indirect_dma source(%dma_start3A_61 : memref<10000x128xf32, #tpu.memory_space<hbm>>) target(%dma_start3A_56 : memref<40x128xf32, #tpu.memory_space<vmem>>) offsets(%dma_start3A_58 : memref<40xi32, #tpu.memory_space<vmem>>) semaphore(%arg22 : memref<!tpu.dma_semaphore, #tpu.memory_space<semaphore_mem>>)
        %dma_start3A_62 = arith.constant 40 : i32
        %dma_start3A_63 = arith.constant 0 : i32
        %dma_start3A_64 = tpu.memref_slice %arg15[%dma_start3A_62, %dma_start3A_63] : memref<80x128xf32, #tpu.memory_space<vmem>> -> memref<40x128xf32, #tpu.memory_space<vmem>>
        %dma_start3A_65 = arith.constant 40 : i32
        %dma_start3A_66 = tpu.memref_slice %arg13[%dma_start3A_65] : memref<80xi32, #tpu.memory_space<vmem>> -> memref<40xi32, #tpu.memory_space<vmem>>
        %dma_start3A_67 = arith.constant 0 : i32
        %dma_start3A_68 = arith.constant 0 : i32
        %dma_start3A_69 = tpu.memref_slice %arg2[%dma_start3A_67, %dma_start3A_68] : memref<10000x128xf32, #tpu.memory_space<hbm>> -> memref<10000x128xf32, #tpu.memory_space<hbm>>
        tpu.enqueue_indirect_dma source(%dma_start3A_69 : memref<10000x128xf32, #tpu.memory_space<hbm>>) target(%dma_start3A_64 : memref<40x128xf32, #tpu.memory_space<vmem>>) offsets(%dma_start3A_66 : memref<40xi32, #tpu.memory_space<vmem>>) semaphore(%arg24 : memref<!tpu.dma_semaphore, #tpu.memory_space<semaphore_mem>>)
        %dma_start3A_70 = arith.constant 40 : i32
        %dma_start3A_71 = arith.constant 0 : i32
        %dma_start3A_72 = tpu.memref_slice %arg16[%dma_start3A_70, %dma_start3A_71] : memref<80x128xf32, #tpu.memory_space<vmem>> -> memref<40x128xf32, #tpu.memory_space<vmem>>
        %dma_start3A_73 = arith.constant 40 : i32
        %dma_start3A_74 = tpu.memref_slice %arg13[%dma_start3A_73] : memref<80xi32, #tpu.memory_space<vmem>> -> memref<40xi32, #tpu.memory_space<vmem>>
        %dma_start3A_75 = arith.constant 0 : i32
        %dma_start3A_76 = arith.constant 0 : i32
        %dma_start3A_77 = tpu.memref_slice %arg3[%dma_start3A_75, %dma_start3A_76] : memref<10000x128xf32, #tpu.memory_space<hbm>> -> memref<10000x128xf32, #tpu.memory_space<hbm>>
        tpu.enqueue_indirect_dma source(%dma_start3A_77 : memref<10000x128xf32, #tpu.memory_space<hbm>>) target(%dma_start3A_72 : memref<40x128xf32, #tpu.memory_space<vmem>>) offsets(%dma_start3A_74 : memref<40xi32, #tpu.memory_space<vmem>>) semaphore(%arg26 : memref<!tpu.dma_semaphore, #tpu.memory_space<semaphore_mem>>)
        %dma_start3A_78 = arith.constant 40 : i32
        %dma_start3A_79 = arith.constant 0 : i32
        %dma_start3A_80 = tpu.memref_slice %arg17[%dma_start3A_78, %dma_start3A_79] : memref<80x128xf32, #tpu.memory_space<vmem>> -> memref<40x128xf32, #tpu.memory_space<vmem>>
        %dma_start3A_81 = arith.constant 40 : i32
        %dma_start3A_82 = tpu.memref_slice %arg14[%dma_start3A_81] : memref<80xi32, #tpu.memory_space<vmem>> -> memref<40xi32, #tpu.memory_space<vmem>>
        %dma_start3A_83 = arith.constant 0 : i32
        %dma_start3A_84 = arith.constant 0 : i32
        %dma_start3A_85 = tpu.memref_slice %arg3[%dma_start3A_83, %dma_start3A_84] : memref<10000x128xf32, #tpu.memory_space<hbm>> -> memref<10000x128xf32, #tpu.memory_space<hbm>>
        tpu.enqueue_indirect_dma source(%dma_start3A_85 : memref<10000x128xf32, #tpu.memory_space<hbm>>) target(%dma_start3A_80 : memref<40x128xf32, #tpu.memory_space<vmem>>) offsets(%dma_start3A_82 : memref<40xi32, #tpu.memory_space<vmem>>) semaphore(%arg25 : memref<!tpu.dma_semaphore, #tpu.memory_space<semaphore_mem>>)
        %add3A_86 = arith.constant 0 : i32
        %add3A_87 = vector.broadcast %add3A_86 : i32 to vector<16xi32>
        %add3A_88 = arith.addi %add3A_87, %iota3A : vector<16xi32>
        %add3A_89 = arith.constant 16 : i32
        %add3A_90 = vector.broadcast %add3A_89 : i32 to vector<16xi32>
        %add3A_91 = arith.addi %add3A_90, %iota3A : vector<16xi32>
        %add3A_92 = arith.constant 32 : i32
        %add3A_93 = vector.broadcast %add3A_92 : i32 to vector<16xi32>
        %add3A_94 = arith.addi %add3A_93, %iota3A : vector<16xi32>
        %add3A_95 = arith.constant 48 : i32
        %add3A_96 = vector.broadcast %add3A_95 : i32 to vector<16xi32>
        %add3A_97 = arith.addi %add3A_96, %iota3A : vector<16xi32>
        %add3A_98 = arith.constant 64 : i32
        %add3A_99 = vector.broadcast %add3A_98 : i32 to vector<16xi32>
        %add3A_100 = arith.addi %add3A_99, %iota3A : vector<16xi32>
        %add3A_101 = arith.constant 80 : i32
        %add3A_102 = vector.broadcast %add3A_101 : i32 to vector<16xi32>
        %add3A_103 = arith.addi %add3A_102, %iota3A : vector<16xi32>
        %add3A_104 = arith.constant 96 : i32
        %add3A_105 = vector.broadcast %add3A_104 : i32 to vector<16xi32>
        %add3A_106 = arith.addi %add3A_105, %iota3A : vector<16xi32>
        %add3A_107 = arith.constant 112 : i32
        %add3A_108 = vector.broadcast %add3A_107 : i32 to vector<16xi32>
        %add3A_109 = arith.addi %add3A_108, %iota3A : vector<16xi32>
        %dma_wait3A = arith.constant 0 : i32
        %dma_wait3A_110 = arith.constant 0 : i32
        %dma_wait3A_111 = tpu.memref_slice %arg15[%dma_wait3A, %dma_wait3A_110] : memref<80x128xf32, #tpu.memory_space<vmem>> -> memref<40x128xf32, #tpu.memory_space<vmem>>
        %dma_wait3A_112 = arith.constant 0 : i32
        %dma_wait3A_113 = tpu.memref_slice %arg13[%dma_wait3A_112] : memref<80xi32, #tpu.memory_space<vmem>> -> memref<40xi32, #tpu.memory_space<vmem>>
        %dma_wait3A_114 = arith.constant 0 : i32
        %dma_wait3A_115 = arith.constant 0 : i32
        %dma_wait3A_116 = tpu.memref_slice %arg2[%dma_wait3A_114, %dma_wait3A_115] : memref<10000x128xf32, #tpu.memory_space<hbm>> -> memref<10000x128xf32, #tpu.memory_space<hbm>>
        tpu.wait_indirect_dma semaphore(%arg21 : memref<!tpu.dma_semaphore, #tpu.memory_space<semaphore_mem>>) src(%dma_wait3A_116 : memref<10000x128xf32, #tpu.memory_space<hbm>>) dst(%dma_wait3A_111 : memref<40x128xf32, #tpu.memory_space<vmem>>)
        %dma_wait3A_117 = arith.constant 0 : i32
        %dma_wait3A_118 = arith.constant 0 : i32
        %dma_wait3A_119 = tpu.memref_slice %arg16[%dma_wait3A_117, %dma_wait3A_118] : memref<80x128xf32, #tpu.memory_space<vmem>> -> memref<40x128xf32, #tpu.memory_space<vmem>>
        %dma_wait3A_120 = arith.constant 0 : i32
        %dma_wait3A_121 = tpu.memref_slice %arg13[%dma_wait3A_120] : memref<80xi32, #tpu.memory_space<vmem>> -> memref<40xi32, #tpu.memory_space<vmem>>
        %dma_wait3A_122 = arith.constant 0 : i32
        %dma_wait3A_123 = arith.constant 0 : i32
        %dma_wait3A_124 = tpu.memref_slice %arg3[%dma_wait3A_122, %dma_wait3A_123] : memref<10000x128xf32, #tpu.memory_space<hbm>> -> memref<10000x128xf32, #tpu.memory_space<hbm>>
        tpu.wait_indirect_dma semaphore(%arg23 : memref<!tpu.dma_semaphore, #tpu.memory_space<semaphore_mem>>) src(%dma_wait3A_124 : memref<10000x128xf32, #tpu.memory_space<hbm>>) dst(%dma_wait3A_119 : memref<40x128xf32, #tpu.memory_space<vmem>>)
        %dma_wait3A_125 = arith.constant 0 : i32
        %dma_wait3A_126 = arith.constant 0 : i32
        %dma_wait3A_127 = tpu.memref_slice %arg17[%dma_wait3A_125, %dma_wait3A_126] : memref<80x128xf32, #tpu.memory_space<vmem>> -> memref<40x128xf32, #tpu.memory_space<vmem>>
        %dma_wait3A_128 = arith.constant 0 : i32
        %dma_wait3A_129 = tpu.memref_slice %arg14[%dma_wait3A_128] : memref<80xi32, #tpu.memory_space<vmem>> -> memref<40xi32, #tpu.memory_space<vmem>>
        %dma_wait3A_130 = arith.constant 0 : i32
        %dma_wait3A_131 = arith.constant 0 : i32
        %dma_wait3A_132 = tpu.memref_slice %arg3[%dma_wait3A_130, %dma_wait3A_131] : memref<10000x128xf32, #tpu.memory_space<hbm>> -> memref<10000x128xf32, #tpu.memory_space<hbm>>
        tpu.wait_indirect_dma semaphore(%arg22 : memref<!tpu.dma_semaphore, #tpu.memory_space<semaphore_mem>>) src(%dma_wait3A_132 : memref<10000x128xf32, #tpu.memory_space<hbm>>) dst(%dma_wait3A_127 : memref<40x128xf32, #tpu.memory_space<vmem>>)
        %scan3A_133 = arith.constant 0 : i32
        %scan3A_134 = arith.constant 40 : i32
        %scan3A_135 = arith.addi %scan3A_133, %scan3A_134 : i32
        %scan3A_136 = arith.constant 1 : i32
        scf.for %scan3A_167 = %scan3A_133 to %scan3A_135 step %scan3A_136  : i32 {
          %broadcast_in_dim3A_168 = vector.broadcast %scan3A_167 : i32 to vector<16xi32>
          %gather3A = tpu.vector_load_idx %arg16[%broadcast_in_dim3A_168, %add3A_88] : memref<80x128xf32, #tpu.memory_space<vmem>>[vector<16xi32>, vector<16xi32>], vector<16xf32>,
          %gather3A_169 = tpu.vector_load_idx %arg17[%broadcast_in_dim3A_168, %add3A_88] : memref<80x128xf32, #tpu.memory_space<vmem>>[vector<16xi32>, vector<16xi32>], vector<16xf32>,
          %mul3A_170 = arith.mulf %gather3A, %gather3A_169 : vector<16xf32>
          %add3A_171 = arith.addf %broadcast_in_dim3A_0, %mul3A_170 : vector<16xf32>
          %gather3A_172 = tpu.vector_load_idx %arg16[%broadcast_in_dim3A_168, %add3A_91] : memref<80x128xf32, #tpu.memory_space<vmem>>[vector<16xi32>, vector<16xi32>], vector<16xf32>,
          %gather3A_173 = tpu.vector_load_idx %arg17[%broadcast_in_dim3A_168, %add3A_91] : memref<80x128xf32, #tpu.memory_space<vmem>>[vector<16xi32>, vector<16xi32>], vector<16xf32>,
          %mul3A_174 = arith.mulf %gather3A_172, %gather3A_173 : vector<16xf32>
          %add3A_175 = arith.addf %add3A_171, %mul3A_174 : vector<16xf32>
          %gather3A_176 = tpu.vector_load_idx %arg16[%broadcast_in_dim3A_168, %add3A_94] : memref<80x128xf32, #tpu.memory_space<vmem>>[vector<16xi32>, vector<16xi32>], vector<16xf32>,
          %gather3A_177 = tpu.vector_load_idx %arg17[%broadcast_in_dim3A_168, %add3A_94] : memref<80x128xf32, #tpu.memory_space<vmem>>[vector<16xi32>, vector<16xi32>], vector<16xf32>,
          %mul3A_178 = arith.mulf %gather3A_176, %gather3A_177 : vector<16xf32>
          %add3A_179 = arith.addf %add3A_175, %mul3A_178 : vector<16xf32>
          %gather3A_180 = tpu.vector_load_idx %arg16[%broadcast_in_dim3A_168, %add3A_97] : memref<80x128xf32, #tpu.memory_space<vmem>>[vector<16xi32>, vector<16xi32>], vector<16xf32>,
          %gather3A_181 = tpu.vector_load_idx %arg17[%broadcast_in_dim3A_168, %add3A_97] : memref<80x128xf32, #tpu.memory_space<vmem>>[vector<16xi32>, vector<16xi32>], vector<16xf32>,
          %mul3A_182 = arith.mulf %gather3A_180, %gather3A_181 : vector<16xf32>
          %add3A_183 = arith.addf %add3A_179, %mul3A_182 : vector<16xf32>
          %gather3A_184 = tpu.vector_load_idx %arg16[%broadcast_in_dim3A_168, %add3A_100] : memref<80x128xf32, #tpu.memory_space<vmem>>[vector<16xi32>, vector<16xi32>], vector<16xf32>,
          %gather3A_185 = tpu.vector_load_idx %arg17[%broadcast_in_dim3A_168, %add3A_100] : memref<80x128xf32, #tpu.memory_space<vmem>>[vector<16xi32>, vector<16xi32>], vector<16xf32>,
          %mul3A_186 = arith.mulf %gather3A_184, %gather3A_185 : vector<16xf32>
          %add3A_187 = arith.addf %add3A_183, %mul3A_186 : vector<16xf32>
          %gather3A_188 = tpu.vector_load_idx %arg16[%broadcast_in_dim3A_168, %add3A_103] : memref<80x128xf32, #tpu.memory_space<vmem>>[vector<16xi32>, vector<16xi32>], vector<16xf32>,
          %gather3A_189 = tpu.vector_load_idx %arg17[%broadcast_in_dim3A_168, %add3A_103] : memref<80x128xf32, #tpu.memory_space<vmem>>[vector<16xi32>, vector<16xi32>], vector<16xf32>,
          %mul3A_190 = arith.mulf %gather3A_188, %gather3A_189 : vector<16xf32>
          %add3A_191 = arith.addf %add3A_187, %mul3A_190 : vector<16xf32>
          %gather3A_192 = tpu.vector_load_idx %arg16[%broadcast_in_dim3A_168, %add3A_106] : memref<80x128xf32, #tpu.memory_space<vmem>>[vector<16xi32>, vector<16xi32>], vector<16xf32>,
          %gather3A_193 = tpu.vector_load_idx %arg17[%broadcast_in_dim3A_168, %add3A_106] : memref<80x128xf32, #tpu.memory_space<vmem>>[vector<16xi32>, vector<16xi32>], vector<16xf32>,
          %mul3A_194 = arith.mulf %gather3A_192, %gather3A_193 : vector<16xf32>
          %add3A_195 = arith.addf %add3A_191, %mul3A_194 : vector<16xf32>
          %gather3A_196 = tpu.vector_load_idx %arg16[%broadcast_in_dim3A_168, %add3A_109] : memref<80x128xf32, #tpu.memory_space<vmem>>[vector<16xi32>, vector<16xi32>], vector<16xf32>,
          %gather3A_197 = tpu.vector_load_idx %arg17[%broadcast_in_dim3A_168, %add3A_109] : memref<80x128xf32, #tpu.memory_space<vmem>>[vector<16xi32>, vector<16xi32>], vector<16xf32>,
          %mul3A_198 = arith.mulf %gather3A_196, %gather3A_197 : vector<16xf32>
          %add3A_199 = arith.addf %add3A_195, %mul3A_198 : vector<16xf32>
          %reduce_sum3A = arith.constant true
          %reduce_sum3A_200 = vector.broadcast %reduce_sum3A : i1 to vector<16xi1>
          %reduce_sum3A_201 = tpu.scan <sum>, %add3A_199 masked %reduce_sum3A_200 : vector<16xf32>, vector<16xi1> -> vector<16xf32>
          %reduce_sum3A_202 = vector.extract %reduce_sum3A_201[15] : f32 from vector<16xf32>
          %get3A = arith.constant 0 : index
          %get3A_203 = tpu.vector_load %arg12[%get3A] {strides = array<i32>} : memref<16xf32, #tpu.memory_space<vmem>>, vector<16xf32>,
          %broadcast_in_dim3A_204 = vector.broadcast %reduce_sum3A_202 : f32 to vector<16xf32>
          %mul3A_205 = arith.mulf %get3A_203, %broadcast_in_dim3A_204 : vector<16xf32>
          %exp3A = math.exp %mul3A_205 : vector<16xf32>
          %gather3A_206 = tpu.vector_load_idx %arg15[%broadcast_in_dim3A_168, %add3A_88] : memref<80x128xf32, #tpu.memory_space<vmem>>[vector<16xi32>, vector<16xi32>], vector<16xf32>,
          %mul3A_207 = arith.mulf %exp3A, %gather3A_206 : vector<16xf32>
          tpu.vector_store_idx %arg17[%broadcast_in_dim3A_168, %add3A_88], %mul3A_207 : memref<80x128xf32, #tpu.memory_space<vmem>>[vector<16xi32>, vector<16xi32>], vector<16xf32>,
          %gather3A_208 = tpu.vector_load_idx %arg15[%broadcast_in_dim3A_168, %add3A_91] : memref<80x128xf32, #tpu.memory_space<vmem>>[vector<16xi32>, vector<16xi32>], vector<16xf32>,
          %mul3A_209 = arith.mulf %exp3A, %gather3A_208 : vector<16xf32>
          tpu.vector_store_idx %arg17[%broadcast_in_dim3A_168, %add3A_91], %mul3A_209 : memref<80x128xf32, #tpu.memory_space<vmem>>[vector<16xi32>, vector<16xi32>], vector<16xf32>,
          %gather3A_210 = tpu.vector_load_idx %arg15[%broadcast_in_dim3A_168, %add3A_94] : memref<80x128xf32, #tpu.memory_space<vmem>>[vector<16xi32>, vector<16xi32>], vector<16xf32>,
          %mul3A_211 = arith.mulf %exp3A, %gather3A_210 : vector<16xf32>
          tpu.vector_store_idx %arg17[%broadcast_in_dim3A_168, %add3A_94], %mul3A_211 : memref<80x128xf32, #tpu.memory_space<vmem>>[vector<16xi32>, vector<16xi32>], vector<16xf32>,
          %gather3A_212 = tpu.vector_load_idx %arg15[%broadcast_in_dim3A_168, %add3A_97] : memref<80x128xf32, #tpu.memory_space<vmem>>[vector<16xi32>, vector<16xi32>], vector<16xf32>,
          %mul3A_213 = arith.mulf %exp3A, %gather3A_212 : vector<16xf32>
          tpu.vector_store_idx %arg17[%broadcast_in_dim3A_168, %add3A_97], %mul3A_213 : memref<80x128xf32, #tpu.memory_space<vmem>>[vector<16xi32>, vector<16xi32>], vector<16xf32>,
          %gather3A_214 = tpu.vector_load_idx %arg15[%broadcast_in_dim3A_168, %add3A_100] : memref<80x128xf32, #tpu.memory_space<vmem>>[vector<16xi32>, vector<16xi32>], vector<16xf32>,
          %mul3A_215 = arith.mulf %exp3A, %gather3A_214 : vector<16xf32>
          tpu.vector_store_idx %arg17[%broadcast_in_dim3A_168, %add3A_100], %mul3A_215 : memref<80x128xf32, #tpu.memory_space<vmem>>[vector<16xi32>, vector<16xi32>], vector<16xf32>,
          %gather3A_216 = tpu.vector_load_idx %arg15[%broadcast_in_dim3A_168, %add3A_103] : memref<80x128xf32, #tpu.memory_space<vmem>>[vector<16xi32>, vector<16xi32>], vector<16xf32>,
          %mul3A_217 = arith.mulf %exp3A, %gather3A_216 : vector<16xf32>
          tpu.vector_store_idx %arg17[%broadcast_in_dim3A_168, %add3A_103], %mul3A_217 : memref<80x128xf32, #tpu.memory_space<vmem>>[vector<16xi32>, vector<16xi32>], vector<16xf32>,
          %gather3A_218 = tpu.vector_load_idx %arg15[%broadcast_in_dim3A_168, %add3A_106] : memref<80x128xf32, #tpu.memory_space<vmem>>[vector<16xi32>, vector<16xi32>], vector<16xf32>,
          %mul3A_219 = arith.mulf %exp3A, %gather3A_218 : vector<16xf32>
          tpu.vector_store_idx %arg17[%broadcast_in_dim3A_168, %add3A_106], %mul3A_219 : memref<80x128xf32, #tpu.memory_space<vmem>>[vector<16xi32>, vector<16xi32>], vector<16xf32>,
          %gather3A_220 = tpu.vector_load_idx %arg15[%broadcast_in_dim3A_168, %add3A_109] : memref<80x128xf32, #tpu.memory_space<vmem>>[vector<16xi32>, vector<16xi32>], vector<16xf32>,
          %mul3A_221 = arith.mulf %exp3A, %gather3A_220 : vector<16xf32>
          tpu.vector_store_idx %arg17[%broadcast_in_dim3A_168, %add3A_109], %mul3A_221 : memref<80x128xf32, #tpu.memory_space<vmem>>[vector<16xi32>, vector<16xi32>], vector<16xf32>,
          %mul3A_222 = arith.mulf %exp3A, %convert_element_type3A_3 : vector<16xf32>
          tpu.vector_store_idx %arg18[%broadcast_in_dim3A_168, %iota3A], %mul3A_222 : memref<80x16xf32, #tpu.memory_space<vmem>>[vector<16xi32>, vector<16xi32>], vector<16xf32>,
        }
        %scan3A_137 = arith.constant 40 : i32
        %dma_wait3A_138 = arith.constant 40 : i32
        %dma_wait3A_139 = arith.constant 0 : i32
        %dma_wait3A_140 = tpu.memref_slice %arg15[%dma_wait3A_138, %dma_wait3A_139] : memref<80x128xf32, #tpu.memory_space<vmem>> -> memref<40x128xf32, #tpu.memory_space<vmem>>
        %dma_wait3A_141 = arith.constant 40 : i32
        %dma_wait3A_142 = tpu.memref_slice %arg13[%dma_wait3A_141] : memref<80xi32, #tpu.memory_space<vmem>> -> memref<40xi32, #tpu.memory_space<vmem>>
        %dma_wait3A_143 = arith.constant 0 : i32
        %dma_wait3A_144 = arith.constant 0 : i32
        %dma_wait3A_145 = tpu.memref_slice %arg2[%dma_wait3A_143, %dma_wait3A_144] : memref<10000x128xf32, #tpu.memory_space<hbm>> -> memref<10000x128xf32, #tpu.memory_space<hbm>>
        tpu.wait_indirect_dma semaphore(%arg24 : memref<!tpu.dma_semaphore, #tpu.memory_space<semaphore_mem>>) src(%dma_wait3A_145 : memref<10000x128xf32, #tpu.memory_space<hbm>>) dst(%dma_wait3A_140 : memref<40x128xf32, #tpu.memory_space<vmem>>)
        %dma_wait3A_146 = arith.constant 40 : i32
        %dma_wait3A_147 = arith.constant 0 : i32
        %dma_wait3A_148 = tpu.memref_slice %arg16[%dma_wait3A_146, %dma_wait3A_147] : memref<80x128xf32, #tpu.memory_space<vmem>> -> memref<40x128xf32, #tpu.memory_space<vmem>>
        %dma_wait3A_149 = arith.constant 40 : i32
        %dma_wait3A_150 = tpu.memref_slice %arg13[%dma_wait3A_149] : memref<80xi32, #tpu.memory_space<vmem>> -> memref<40xi32, #tpu.memory_space<vmem>>
        %dma_wait3A_151 = arith.constant 0 : i32
        %dma_wait3A_152 = arith.constant 0 : i32
        %dma_wait3A_153 = tpu.memref_slice %arg3[%dma_wait3A_151, %dma_wait3A_152] : memref<10000x128xf32, #tpu.memory_space<hbm>> -> memref<10000x128xf32, #tpu.memory_space<hbm>>
        tpu.wait_indirect_dma semaphore(%arg26 : memref<!tpu.dma_semaphore, #tpu.memory_space<semaphore_mem>>) src(%dma_wait3A_153 : memref<10000x128xf32, #tpu.memory_space<hbm>>) dst(%dma_wait3A_148 : memref<40x128xf32, #tpu.memory_space<vmem>>)
        %dma_wait3A_154 = arith.constant 40 : i32
        %dma_wait3A_155 = arith.constant 0 : i32
        %dma_wait3A_156 = tpu.memref_slice %arg17[%dma_wait3A_154, %dma_wait3A_155] : memref<80x128xf32, #tpu.memory_space<vmem>> -> memref<40x128xf32, #tpu.memory_space<vmem>>
        %dma_wait3A_157 = arith.constant 40 : i32
        %dma_wait3A_158 = tpu.memref_slice %arg14[%dma_wait3A_157] : memref<80xi32, #tpu.memory_space<vmem>> -> memref<40xi32, #tpu.memory_space<vmem>>
        %dma_wait3A_159 = arith.constant 0 : i32
        %dma_wait3A_160 = arith.constant 0 : i32
        %dma_wait3A_161 = tpu.memref_slice %arg3[%dma_wait3A_159, %dma_wait3A_160] : memref<10000x128xf32, #tpu.memory_space<hbm>> -> memref<10000x128xf32, #tpu.memory_space<hbm>>
        tpu.wait_indirect_dma semaphore(%arg25 : memref<!tpu.dma_semaphore, #tpu.memory_space<semaphore_mem>>) src(%dma_wait3A_161 : memref<10000x128xf32, #tpu.memory_space<hbm>>) dst(%dma_wait3A_156 : memref<40x128xf32, #tpu.memory_space<vmem>>)
        %scan3A_162 = arith.constant 40 : i32
        %scan3A_163 = arith.constant 40 : i32
        %scan3A_164 = arith.addi %scan3A_162, %scan3A_163 : i32
        %scan3A_165 = arith.constant 1 : i32
        scf.for %scan3A_167 = %scan3A_162 to %scan3A_164 step %scan3A_165  : i32 {
          %broadcast_in_dim3A_168 = vector.broadcast %scan3A_167 : i32 to vector<16xi32>
          %gather3A = tpu.vector_load_idx %arg16[%broadcast_in_dim3A_168, %add3A_88] : memref<80x128xf32, #tpu.memory_space<vmem>>[vector<16xi32>, vector<16xi32>], vector<16xf32>,
          %gather3A_169 = tpu.vector_load_idx %arg17[%broadcast_in_dim3A_168, %add3A_88] : memref<80x128xf32, #tpu.memory_space<vmem>>[vector<16xi32>, vector<16xi32>], vector<16xf32>,
          %mul3A_170 = arith.mulf %gather3A, %gather3A_169 : vector<16xf32>
          %add3A_171 = arith.addf %broadcast_in_dim3A_0, %mul3A_170 : vector<16xf32>
          %gather3A_172 = tpu.vector_load_idx %arg16[%broadcast_in_dim3A_168, %add3A_91] : memref<80x128xf32, #tpu.memory_space<vmem>>[vector<16xi32>, vector<16xi32>], vector<16xf32>,
          %gather3A_173 = tpu.vector_load_idx %arg17[%broadcast_in_dim3A_168, %add3A_91] : memref<80x128xf32, #tpu.memory_space<vmem>>[vector<16xi32>, vector<16xi32>], vector<16xf32>,
          %mul3A_174 = arith.mulf %gather3A_172, %gather3A_173 : vector<16xf32>
          %add3A_175 = arith.addf %add3A_171, %mul3A_174 : vector<16xf32>
          %gather3A_176 = tpu.vector_load_idx %arg16[%broadcast_in_dim3A_168, %add3A_94] : memref<80x128xf32, #tpu.memory_space<vmem>>[vector<16xi32>, vector<16xi32>], vector<16xf32>,
          %gather3A_177 = tpu.vector_load_idx %arg17[%broadcast_in_dim3A_168, %add3A_94] : memref<80x128xf32, #tpu.memory_space<vmem>>[vector<16xi32>, vector<16xi32>], vector<16xf32>,
          %mul3A_178 = arith.mulf %gather3A_176, %gather3A_177 : vector<16xf32>
          %add3A_179 = arith.addf %add3A_175, %mul3A_178 : vector<16xf32>
          %gather3A_180 = tpu.vector_load_idx %arg16[%broadcast_in_dim3A_168, %add3A_97] : memref<80x128xf32, #tpu.memory_space<vmem>>[vector<16xi32>, vector<16xi32>], vector<16xf32>,
          %gather3A_181 = tpu.vector_load_idx %arg17[%broadcast_in_dim3A_168, %add3A_97] : memref<80x128xf32, #tpu.memory_space<vmem>>[vector<16xi32>, vector<16xi32>], vector<16xf32>,
          %mul3A_182 = arith.mulf %gather3A_180, %gather3A_181 : vector<16xf32>
          %add3A_183 = arith.addf %add3A_179, %mul3A_182 : vector<16xf32>
          %gather3A_184 = tpu.vector_load_idx %arg16[%broadcast_in_dim3A_168, %add3A_100] : memref<80x128xf32, #tpu.memory_space<vmem>>[vector<16xi32>, vector<16xi32>], vector<16xf32>,
          %gather3A_185 = tpu.vector_load_idx %arg17[%broadcast_in_dim3A_168, %add3A_100] : memref<80x128xf32, #tpu.memory_space<vmem>>[vector<16xi32>, vector<16xi32>], vector<16xf32>,
          %mul3A_186 = arith.mulf %gather3A_184, %gather3A_185 : vector<16xf32>
          %add3A_187 = arith.addf %add3A_183, %mul3A_186 : vector<16xf32>
          %gather3A_188 = tpu.vector_load_idx %arg16[%broadcast_in_dim3A_168, %add3A_103] : memref<80x128xf32, #tpu.memory_space<vmem>>[vector<16xi32>, vector<16xi32>], vector<16xf32>,
          %gather3A_189 = tpu.vector_load_idx %arg17[%broadcast_in_dim3A_168, %add3A_103] : memref<80x128xf32, #tpu.memory_space<vmem>>[vector<16xi32>, vector<16xi32>], vector<16xf32>,
          %mul3A_190 = arith.mulf %gather3A_188, %gather3A_189 : vector<16xf32>
          %add3A_191 = arith.addf %add3A_187, %mul3A_190 : vector<16xf32>
          %gather3A_192 = tpu.vector_load_idx %arg16[%broadcast_in_dim3A_168, %add3A_106] : memref<80x128xf32, #tpu.memory_space<vmem>>[vector<16xi32>, vector<16xi32>], vector<16xf32>,
          %gather3A_193 = tpu.vector_load_idx %arg17[%broadcast_in_dim3A_168, %add3A_106] : memref<80x128xf32, #tpu.memory_space<vmem>>[vector<16xi32>, vector<16xi32>], vector<16xf32>,
          %mul3A_194 = arith.mulf %gather3A_192, %gather3A_193 : vector<16xf32>
          %add3A_195 = arith.addf %add3A_191, %mul3A_194 : vector<16xf32>
          %gather3A_196 = tpu.vector_load_idx %arg16[%broadcast_in_dim3A_168, %add3A_109] : memref<80x128xf32, #tpu.memory_space<vmem>>[vector<16xi32>, vector<16xi32>], vector<16xf32>,
          %gather3A_197 = tpu.vector_load_idx %arg17[%broadcast_in_dim3A_168, %add3A_109] : memref<80x128xf32, #tpu.memory_space<vmem>>[vector<16xi32>, vector<16xi32>], vector<16xf32>,
          %mul3A_198 = arith.mulf %gather3A_196, %gather3A_197 : vector<16xf32>
          %add3A_199 = arith.addf %add3A_195, %mul3A_198 : vector<16xf32>
          %reduce_sum3A = arith.constant true
          %reduce_sum3A_200 = vector.broadcast %reduce_sum3A : i1 to vector<16xi1>
          %reduce_sum3A_201 = tpu.scan <sum>, %add3A_199 masked %reduce_sum3A_200 : vector<16xf32>, vector<16xi1> -> vector<16xf32>
          %reduce_sum3A_202 = vector.extract %reduce_sum3A_201[15] : f32 from vector<16xf32>
          %get3A = arith.constant 0 : index
          %get3A_203 = tpu.vector_load %arg12[%get3A] {strides = array<i32>} : memref<16xf32, #tpu.memory_space<vmem>>, vector<16xf32>,
          %broadcast_in_dim3A_204 = vector.broadcast %reduce_sum3A_202 : f32 to vector<16xf32>
          %mul3A_205 = arith.mulf %get3A_203, %broadcast_in_dim3A_204 : vector<16xf32>
          %exp3A = math.exp %mul3A_205 : vector<16xf32>
          %gather3A_206 = tpu.vector_load_idx %arg15[%broadcast_in_dim3A_168, %add3A_88] : memref<80x128xf32, #tpu.memory_space<vmem>>[vector<16xi32>, vector<16xi32>], vector<16xf32>,
          %mul3A_207 = arith.mulf %exp3A, %gather3A_206 : vector<16xf32>
          tpu.vector_store_idx %arg17[%broadcast_in_dim3A_168, %add3A_88], %mul3A_207 : memref<80x128xf32, #tpu.memory_space<vmem>>[vector<16xi32>, vector<16xi32>], vector<16xf32>,
          %gather3A_208 = tpu.vector_load_idx %arg15[%broadcast_in_dim3A_168, %add3A_91] : memref<80x128xf32, #tpu.memory_space<vmem>>[vector<16xi32>, vector<16xi32>], vector<16xf32>,
          %mul3A_209 = arith.mulf %exp3A, %gather3A_208 : vector<16xf32>
          tpu.vector_store_idx %arg17[%broadcast_in_dim3A_168, %add3A_91], %mul3A_209 : memref<80x128xf32, #tpu.memory_space<vmem>>[vector<16xi32>, vector<16xi32>], vector<16xf32>,
          %gather3A_210 = tpu.vector_load_idx %arg15[%broadcast_in_dim3A_168, %add3A_94] : memref<80x128xf32, #tpu.memory_space<vmem>>[vector<16xi32>, vector<16xi32>], vector<16xf32>,
          %mul3A_211 = arith.mulf %exp3A, %gather3A_210 : vector<16xf32>
          tpu.vector_store_idx %arg17[%broadcast_in_dim3A_168, %add3A_94], %mul3A_211 : memref<80x128xf32, #tpu.memory_space<vmem>>[vector<16xi32>, vector<16xi32>], vector<16xf32>,
          %gather3A_212 = tpu.vector_load_idx %arg15[%broadcast_in_dim3A_168, %add3A_97] : memref<80x128xf32, #tpu.memory_space<vmem>>[vector<16xi32>, vector<16xi32>], vector<16xf32>,
          %mul3A_213 = arith.mulf %exp3A, %gather3A_212 : vector<16xf32>
          tpu.vector_store_idx %arg17[%broadcast_in_dim3A_168, %add3A_97], %mul3A_213 : memref<80x128xf32, #tpu.memory_space<vmem>>[vector<16xi32>, vector<16xi32>], vector<16xf32>,
          %gather3A_214 = tpu.vector_load_idx %arg15[%broadcast_in_dim3A_168, %add3A_100] : memref<80x128xf32, #tpu.memory_space<vmem>>[vector<16xi32>, vector<16xi32>], vector<16xf32>,
          %mul3A_215 = arith.mulf %exp3A, %gather3A_214 : vector<16xf32>
          tpu.vector_store_idx %arg17[%broadcast_in_dim3A_168, %add3A_100], %mul3A_215 : memref<80x128xf32, #tpu.memory_space<vmem>>[vector<16xi32>, vector<16xi32>], vector<16xf32>,
          %gather3A_216 = tpu.vector_load_idx %arg15[%broadcast_in_dim3A_168, %add3A_103] : memref<80x128xf32, #tpu.memory_space<vmem>>[vector<16xi32>, vector<16xi32>], vector<16xf32>,
          %mul3A_217 = arith.mulf %exp3A, %gather3A_216 : vector<16xf32>
          tpu.vector_store_idx %arg17[%broadcast_in_dim3A_168, %add3A_103], %mul3A_217 : memref<80x128xf32, #tpu.memory_space<vmem>>[vector<16xi32>, vector<16xi32>], vector<16xf32>,
          %gather3A_218 = tpu.vector_load_idx %arg15[%broadcast_in_dim3A_168, %add3A_106] : memref<80x128xf32, #tpu.memory_space<vmem>>[vector<16xi32>, vector<16xi32>], vector<16xf32>,
          %mul3A_219 = arith.mulf %exp3A, %gather3A_218 : vector<16xf32>
          tpu.vector_store_idx %arg17[%broadcast_in_dim3A_168, %add3A_106], %mul3A_219 : memref<80x128xf32, #tpu.memory_space<vmem>>[vector<16xi32>, vector<16xi32>], vector<16xf32>,
          %gather3A_220 = tpu.vector_load_idx %arg15[%broadcast_in_dim3A_168, %add3A_109] : memref<80x128xf32, #tpu.memory_space<vmem>>[vector<16xi32>, vector<16xi32>], vector<16xf32>,
          %mul3A_221 = arith.mulf %exp3A, %gather3A_220 : vector<16xf32>
          tpu.vector_store_idx %arg17[%broadcast_in_dim3A_168, %add3A_109], %mul3A_221 : memref<80x128xf32, #tpu.memory_space<vmem>>[vector<16xi32>, vector<16xi32>], vector<16xf32>,
          %mul3A_222 = arith.mulf %exp3A, %convert_element_type3A_3 : vector<16xf32>
          tpu.vector_store_idx %arg18[%broadcast_in_dim3A_168, %iota3A], %mul3A_222 : memref<80x16xf32, #tpu.memory_space<vmem>>[vector<16xi32>, vector<16xi32>], vector<16xf32>,
        }
        %scan3A_166 = arith.constant 40 : i32
        "tpu.region"() ({
          %run_scoped3A = tpu.sem_alloc : memref<!tpu.dma_semaphore, #tpu.memory_space<semaphore_mem>>
          %dma_start3A_167 = arith.constant 0 : i32
          %dma_start3A_168 = arith.constant 0 : i32
          %dma_start3A_169 = tpu.memref_slice %arg19[%dma_start3A_167, %dma_start3A_168] : memref<10240x128xf32, #tpu.memory_space<vmem_shared>> -> memref<10240x128xf32, #tpu.memory_space<vmem_shared>>
          tpu.enqueue_indirect_dma source(%arg17 : memref<80x128xf32, #tpu.memory_space<vmem>>) target(%dma_start3A_169 : memref<10240x128xf32, #tpu.memory_space<vmem_shared>>) offsets(%arg14 : memref<80xi32, #tpu.memory_space<vmem>>) semaphore(%run_scoped3A : memref<!tpu.dma_semaphore, #tpu.memory_space<semaphore_mem>>) {add = true}
          %dma_wait3A_170 = arith.constant 0 : i32
          %dma_wait3A_171 = arith.constant 0 : i32
          %dma_wait3A_172 = tpu.memref_slice %arg19[%dma_wait3A_170, %dma_wait3A_171] : memref<10240x128xf32, #tpu.memory_space<vmem_shared>> -> memref<10240x128xf32, #tpu.memory_space<vmem_shared>>
          tpu.wait_indirect_dma semaphore(%run_scoped3A : memref<!tpu.dma_semaphore, #tpu.memory_space<semaphore_mem>>) src(%arg17 : memref<80x128xf32, #tpu.memory_space<vmem>>) dst(%dma_wait3A_172 : memref<10240x128xf32, #tpu.memory_space<vmem_shared>>)
          tpu.yield
        }) : () -> ()
        "tpu.region"() ({
          %run_scoped3A = tpu.sem_alloc : memref<!tpu.dma_semaphore, #tpu.memory_space<semaphore_mem>>
          %dma_start3A_167 = arith.constant 0 : i32
          %dma_start3A_168 = arith.constant 0 : i32
          %dma_start3A_169 = tpu.memref_slice %arg20[%dma_start3A_167, %dma_start3A_168] : memref<10240x16xf32, #tpu.memory_space<vmem_shared>> -> memref<10240x16xf32, #tpu.memory_space<vmem_shared>>
          tpu.enqueue_indirect_dma source(%arg18 : memref<80x16xf32, #tpu.memory_space<vmem>>) target(%dma_start3A_169 : memref<10240x16xf32, #tpu.memory_space<vmem_shared>>) offsets(%arg14 : memref<80xi32, #tpu.memory_space<vmem>>) semaphore(%run_scoped3A : memref<!tpu.dma_semaphore, #tpu.memory_space<semaphore_mem>>) {add = true}
          %dma_wait3A_170 = arith.constant 0 : i32
          %dma_wait3A_171 = arith.constant 0 : i32
          %dma_wait3A_172 = tpu.memref_slice %arg20[%dma_wait3A_170, %dma_wait3A_171] : memref<10240x16xf32, #tpu.memory_space<vmem_shared>> -> memref<10240x16xf32, #tpu.memory_space<vmem_shared>>
          tpu.wait_indirect_dma semaphore(%run_scoped3A : memref<!tpu.dma_semaphore, #tpu.memory_space<semaphore_mem>>) src(%arg18 : memref<80x16xf32, #tpu.memory_space<vmem>>) dst(%dma_wait3A_172 : memref<10240x16xf32, #tpu.memory_space<vmem_shared>>)
          tpu.yield
        }) : () -> ()
      } else {
      }
    }
    %scan3A_14 = arith.constant 250 : i32
    %barrier3A_15 = arith.constant 0 : index
    tpu.barrier barrier_id(%barrier3A_15)
    %mul3A_16 = arith.constant 640 : i32
    %mul3A_17 = arith.muli %arg1, %mul3A_16 : i32
    %mul3A_18 = arith.constant 640 : i32
    %mul3A_19 = arith.muli %arg1, %mul3A_18 : i32
    "tpu.region"() ({
      %run_scoped3A = tpu.sem_alloc : memref<!tpu.dma_semaphore, #tpu.memory_space<semaphore_mem>>
      %dma_start3A = arith.constant 0 : i32
      %dma_start3A_24 = tpu.memref_slice %arg10[%arg0, %mul3A_19, %dma_start3A] : memref<2x10240x128xf32, #tpu.memory_space<hbm>> -> memref<1x640x128xf32, #tpu.memory_space<hbm>>
      %dma_start3A_25 = tpu.memref_squeeze %dma_start3A_24 : memref<1x640x128xf32, #tpu.memory_space<hbm>> -> memref<640x128xf32, #tpu.memory_space<hbm>>
      %dma_start3A_26 = arith.constant 0 : i32
      %dma_start3A_27 = tpu.memref_slice %arg19[%mul3A_17, %dma_start3A_26] : memref<10240x128xf32, #tpu.memory_space<vmem_shared>> -> memref<640x128xf32, #tpu.memory_space<vmem_shared>>
      tpu.enqueue_dma source(%dma_start3A_27 : memref<640x128xf32, #tpu.memory_space<vmem_shared>>) target(%dma_start3A_25 : memref<640x128xf32, #tpu.memory_space<hbm>>) target_semaphore(%run_scoped3A : memref<!tpu.dma_semaphore, #tpu.memory_space<semaphore_mem>>)
      %dma_wait3A = arith.constant 0 : i32
      %dma_wait3A_28 = tpu.memref_slice %arg10[%arg0, %mul3A_19, %dma_wait3A] : memref<2x10240x128xf32, #tpu.memory_space<hbm>> -> memref<1x640x128xf32, #tpu.memory_space<hbm>>
      %dma_wait3A_29 = tpu.memref_squeeze %dma_wait3A_28 : memref<1x640x128xf32, #tpu.memory_space<hbm>> -> memref<640x128xf32, #tpu.memory_space<hbm>>
      %dma_wait3A_30 = arith.constant 0 : i32
      %dma_wait3A_31 = tpu.memref_slice %arg19[%mul3A_17, %dma_wait3A_30] : memref<10240x128xf32, #tpu.memory_space<vmem_shared>> -> memref<640x128xf32, #tpu.memory_space<vmem_shared>>
      tpu.wait_dma2 semaphore(%run_scoped3A : memref<!tpu.dma_semaphore, #tpu.memory_space<semaphore_mem>>) src(%dma_wait3A_31 : memref<640x128xf32, #tpu.memory_space<vmem_shared>>) dst(%dma_wait3A_29 : memref<640x128xf32, #tpu.memory_space<hbm>>)
      tpu.yield
    }) : () -> ()
    %eq3A_20 = arith.constant 1 : i32
    %eq3A_21 = arith.cmpi eq, %arg0, %eq3A_20 : i32
    %convert_element_type3A_22 = arith.extui %eq3A_21 : i1 to i32
    %cond3A = arith.constant 0 : i32
    %cond3A_23 = arith.cmpi ne, %convert_element_type3A_22, %cond3A : i32
    scf.if %cond3A_23 {
      %mul3A_24 = arith.constant 640 : i32
      %mul3A_25 = arith.muli %arg1, %mul3A_24 : i32
      %mul3A_26 = arith.constant 640 : i32
      %mul3A_27 = arith.muli %arg1, %mul3A_26 : i32
      "tpu.region"() ({
        %run_scoped3A = tpu.sem_alloc : memref<!tpu.dma_semaphore, #tpu.memory_space<semaphore_mem>>
        %dma_start3A = arith.constant 0 : i32
        %dma_start3A_28 = tpu.memref_slice %arg11[%mul3A_27, %dma_start3A] : memref<10240x16xf32, #tpu.memory_space<hbm>> -> memref<640x16xf32, #tpu.memory_space<hbm>>
        %dma_start3A_29 = arith.constant 0 : i32
        %dma_start3A_30 = tpu.memref_slice %arg20[%mul3A_25, %dma_start3A_29] : memref<10240x16xf32, #tpu.memory_space<vmem_shared>> -> memref<640x16xf32, #tpu.memory_space<vmem_shared>>
        tpu.enqueue_dma source(%dma_start3A_30 : memref<640x16xf32, #tpu.memory_space<vmem_shared>>) target(%dma_start3A_28 : memref<640x16xf32, #tpu.memory_space<hbm>>) target_semaphore(%run_scoped3A : memref<!tpu.dma_semaphore, #tpu.memory_space<semaphore_mem>>)
        %dma_wait3A = arith.constant 0 : i32
        %dma_wait3A_31 = tpu.memref_slice %arg11[%mul3A_27, %dma_wait3A] : memref<10240x16xf32, #tpu.memory_space<hbm>> -> memref<640x16xf32, #tpu.memory_space<hbm>>
        %dma_wait3A_32 = arith.constant 0 : i32
        %dma_wait3A_33 = tpu.memref_slice %arg20[%mul3A_25, %dma_wait3A_32] : memref<10240x16xf32, #tpu.memory_space<vmem_shared>> -> memref<640x16xf32, #tpu.memory_space<vmem_shared>>
        tpu.wait_dma2 semaphore(%run_scoped3A : memref<!tpu.dma_semaphore, #tpu.memory_space<semaphore_mem>>) src(%dma_wait3A_33 : memref<640x16xf32, #tpu.memory_space<vmem_shared>>) dst(%dma_wait3A_31 : memref<640x16xf32, #tpu.memory_space<hbm>>)
        tpu.yield
      }) : () -> ()
    } else {
    }
    return
  }
}

module attributes {stable_mosaic.version = 14 : i64} {
  func.func @_k1_body(%arg0: i32, %arg1: memref<1000x128xf32, #tpu.memory_space<vmem>>, %arg2: memref<128x128xf32, #tpu.memory_space<vmem>>, %arg3: memref<1x128xf32, #tpu.memory_space<vmem>>, %arg4: memref<128x128xf32, #tpu.memory_space<vmem>>, %arg5: memref<1x128xf32, #tpu.memory_space<vmem>>, %arg6: memref<128x128xf32, #tpu.memory_space<vmem>>, %arg7: memref<1x128xf32, #tpu.memory_space<vmem>>, %arg8: memref<1000x128xf32, #tpu.memory_space<vmem>>) attributes {dimension_semantics = [#tpu.dimension_semantics<arbitrary>], iteration_bounds = array<i64: 10>, scalar_prefetch = 0 : i64, scratch_operands = 0 : i64, tpu.core_type = #tpu.core_type<tc>, window_params = [{transform_indices = @transform_0, window_bounds = array<i64: 1000, 128>}, {pipeline_mode = #tpu.pipeline_mode<synchronous>, transform_indices = @transform_1, window_bounds = array<i64: 128, 128>}, {pipeline_mode = #tpu.pipeline_mode<synchronous>, transform_indices = @transform_2, window_bounds = array<i64: 1, 128>}, {pipeline_mode = #tpu.pipeline_mode<synchronous>, transform_indices = @transform_3, window_bounds = array<i64: 128, 128>}, {pipeline_mode = #tpu.pipeline_mode<synchronous>, transform_indices = @transform_4, window_bounds = array<i64: 1, 128>}, {pipeline_mode = #tpu.pipeline_mode<synchronous>, transform_indices = @transform_5, window_bounds = array<i64: 128, 128>}, {pipeline_mode = #tpu.pipeline_mode<synchronous>, transform_indices = @transform_6, window_bounds = array<i64: 1, 128>}, {transform_indices = @transform_7, window_bounds = array<i64: 1000, 128>}]} {
    %get3A = arith.constant 0 : index
    %get3A_0 = arith.constant 0 : index
    %get3A_1 = vector.load %arg1[%get3A, %get3A_0] : memref<1000x128xf32, #tpu.memory_space<vmem>>, vector<1000x128xf32>
    %get3A_2 = arith.constant 0 : index
    %get3A_3 = arith.constant 0 : index
    %get3A_4 = vector.load %arg2[%get3A_2, %get3A_3] : memref<128x128xf32, #tpu.memory_space<vmem>>, vector<128x128xf32>
    %dot_general3A = arith.constant dense<0.000000e+00> : vector<1000x128xf32>
    %dot_general3A_5 = tpu.matmul %get3A_1, %get3A_4, %dot_general3A {dimension_numbers = #tpu.dot_dimension_numbers<[1], [0], [0], [1], [0, 0, 1, 1], [], []>, transpose_lhs_hint = false} : vector<1000x128xf32>, vector<128x128xf32>, vector<1000x128xf32> -> vector<1000x128xf32>
    %get3A_6 = arith.constant 0 : index
    %get3A_7 = arith.constant 0 : index
    %get3A_8 = vector.load %arg3[%get3A_6, %get3A_7] : memref<1x128xf32, #tpu.memory_space<vmem>>, vector<1x128xf32>
    %add3A = vector.broadcast %get3A_8 : vector<1x128xf32> to vector<1000x128xf32>
    %add3A_9 = arith.addf %dot_general3A_5, %add3A : vector<1000x128xf32>
    %max3A = arith.constant 0.000000e+00 : f32
    %max3A_10 = vector.broadcast %max3A : f32 to vector<1000x128xf32>
    %max3A_11 = arith.maximumf %add3A_9, %max3A_10 : vector<1000x128xf32>
    %get3A_12 = arith.constant 0 : index
    %get3A_13 = arith.constant 0 : index
    %get3A_14 = vector.load %arg4[%get3A_12, %get3A_13] : memref<128x128xf32, #tpu.memory_space<vmem>>, vector<128x128xf32>
    %dot_general3A_15 = arith.constant dense<0.000000e+00> : vector<1000x128xf32>
    %dot_general3A_16 = tpu.matmul %max3A_11, %get3A_14, %dot_general3A_15 {dimension_numbers = #tpu.dot_dimension_numbers<[1], [0], [0], [1], [0, 0, 1, 1], [], []>, transpose_lhs_hint = false} : vector<1000x128xf32>, vector<128x128xf32>, vector<1000x128xf32> -> vector<1000x128xf32>
    %get3A_17 = arith.constant 0 : index
    %get3A_18 = arith.constant 0 : index
    %get3A_19 = vector.load %arg5[%get3A_17, %get3A_18] : memref<1x128xf32, #tpu.memory_space<vmem>>, vector<1x128xf32>
    %add3A_20 = vector.broadcast %get3A_19 : vector<1x128xf32> to vector<1000x128xf32>
    %add3A_21 = arith.addf %dot_general3A_16, %add3A_20 : vector<1000x128xf32>
    %max3A_22 = arith.constant 0.000000e+00 : f32
    %max3A_23 = vector.broadcast %max3A_22 : f32 to vector<1000x128xf32>
    %max3A_24 = arith.maximumf %add3A_21, %max3A_23 : vector<1000x128xf32>
    %get3A_25 = arith.constant 0 : index
    %get3A_26 = arith.constant 0 : index
    %get3A_27 = vector.load %arg6[%get3A_25, %get3A_26] : memref<128x128xf32, #tpu.memory_space<vmem>>, vector<128x128xf32>
    %dot_general3A_28 = arith.constant dense<0.000000e+00> : vector<1000x128xf32>
    %dot_general3A_29 = tpu.matmul %max3A_24, %get3A_27, %dot_general3A_28 {dimension_numbers = #tpu.dot_dimension_numbers<[1], [0], [0], [1], [0, 0, 1, 1], [], []>, transpose_lhs_hint = false} : vector<1000x128xf32>, vector<128x128xf32>, vector<1000x128xf32> -> vector<1000x128xf32>
    %get3A_30 = arith.constant 0 : index
    %get3A_31 = arith.constant 0 : index
    %get3A_32 = vector.load %arg7[%get3A_30, %get3A_31] : memref<1x128xf32, #tpu.memory_space<vmem>>, vector<1x128xf32>
    %add3A_33 = vector.broadcast %get3A_32 : vector<1x128xf32> to vector<1000x128xf32>
    %add3A_34 = arith.addf %dot_general3A_29, %add3A_33 : vector<1000x128xf32>
    %swap3A = arith.constant 0 : index
    %swap3A_35 = arith.constant 0 : index
    %swap3A_36 = vector.load %arg8[%swap3A, %swap3A_35] : memref<1000x128xf32, #tpu.memory_space<vmem>>, vector<1000x128xf32>
    tpu.vector_store %arg8[%swap3A, %swap3A_35], %add3A_34 {strides = array<i32>} : memref<1000x128xf32, #tpu.memory_space<vmem>>, vector<1000x128xf32>,
    return
  }
  func.func @transform_0(%arg0: i32) -> (i32, i32) {
    %c0_i32 = arith.constant 0 : i32
    %c0_i32_0 = arith.constant 0 : i32
    return %arg0, %c0_i32 : i32, i32
  }
  func.func @transform_1(%arg0: i32) -> (i32, i32) {
    %c0_i32 = arith.constant 0 : i32
    %c0_i32_0 = arith.constant 0 : i32
    %c0_i32_1 = arith.constant 0 : i32
    return %c0_i32, %c0_i32_0 : i32, i32
  }
  func.func @transform_2(%arg0: i32) -> (i32, i32) {
    %c0_i32 = arith.constant 0 : i32
    %c0_i32_0 = arith.constant 0 : i32
    %c0_i32_1 = arith.constant 0 : i32
    return %c0_i32, %c0_i32_0 : i32, i32
  }
  func.func @transform_3(%arg0: i32) -> (i32, i32) {
    %c0_i32 = arith.constant 0 : i32
    %c0_i32_0 = arith.constant 0 : i32
    %c0_i32_1 = arith.constant 0 : i32
    return %c0_i32, %c0_i32_0 : i32, i32
  }
  func.func @transform_4(%arg0: i32) -> (i32, i32) {
    %c0_i32 = arith.constant 0 : i32
    %c0_i32_0 = arith.constant 0 : i32
    %c0_i32_1 = arith.constant 0 : i32
    return %c0_i32, %c0_i32_0 : i32, i32
  }
  func.func @transform_5(%arg0: i32) -> (i32, i32) {
    %c0_i32 = arith.constant 0 : i32
    %c0_i32_0 = arith.constant 0 : i32
    %c0_i32_1 = arith.constant 0 : i32
    return %c0_i32, %c0_i32_0 : i32, i32
  }
  func.func @transform_6(%arg0: i32) -> (i32, i32) {
    %c0_i32 = arith.constant 0 : i32
    %c0_i32_0 = arith.constant 0 : i32
    %c0_i32_1 = arith.constant 0 : i32
    return %c0_i32, %c0_i32_0 : i32, i32
  }
  func.func @transform_7(%arg0: i32) -> (i32, i32) {
    %c0_i32 = arith.constant 0 : i32
    %c0_i32_0 = arith.constant 0 : i32
    return %arg0, %c0_i32 : i32, i32
  }
}

module attributes {stable_mosaic.version = 14 : i64} {
  func.func @_k1b_body(%arg0: i32, %arg1: memref<1x2x1000xf32, #tpu.memory_space<vmem>>, %arg2: memref<1000x128xf32, #tpu.memory_space<vmem>>, %arg3: memref<1x1x1000xf32, #tpu.memory_space<vmem>>, %arg4: memref<1000x128xf32, #tpu.memory_space<vmem>>, %arg5: memref<1000x128xf32, #tpu.memory_space<vmem>>, %arg6: memref<1x1x1000xf32, #tpu.memory_space<vmem>>) attributes {dimension_semantics = [#tpu.dimension_semantics<arbitrary>], iteration_bounds = array<i64: 10>, scalar_prefetch = 0 : i64, scratch_operands = 0 : i64, tpu.core_type = #tpu.core_type<tc>, window_params = [{transform_indices = @transform_0, window_bounds = array<i64: 1, 2, 1000>}, {transform_indices = @transform_1, window_bounds = array<i64: 1000, 128>}, {transform_indices = @transform_2, window_bounds = array<i64: 1, 1, 1000>}, {transform_indices = @transform_3, window_bounds = array<i64: 1000, 128>}, {transform_indices = @transform_4, window_bounds = array<i64: 1000, 128>}, {transform_indices = @transform_5, window_bounds = array<i64: 1, 1, 1000>}]} {
    %get3A = arith.constant 0 : index
    %get3A_0 = arith.constant 0 : index
    %get3A_1 = arith.constant 0 : index
    %get3A_2 = vector.load %arg1[%get3A, %get3A_0, %get3A_1] : memref<1x2x1000xf32, #tpu.memory_space<vmem>>, vector<1x2x1000xf32>
    %get3A_3 = vector.shape_cast %get3A_2 : vector<1x2x1000xf32> to vector<2x1000xf32>
    %reduce_sum3A = arith.constant dense<0.000000e+00> : vector<1000xf32>
    %reduce_sum3A_4 = vector.multi_reduction <add>, %get3A_3, %reduce_sum3A [0] : vector<2x1000xf32> to vector<1000xf32>
    %add3A = arith.constant 1.000000e+00 : f32
    %add3A_5 = vector.broadcast %add3A : f32 to vector<1000xf32>
    %add3A_6 = arith.addf %add3A_5, %reduce_sum3A_4 : vector<1000xf32>
    %max3A = arith.constant 9.99999996E-13 : f32
    %max3A_7 = vector.broadcast %max3A : f32 to vector<1000xf32>
    %max3A_8 = arith.maximumf %add3A_6, %max3A_7 : vector<1000xf32>
    %rsqrt3A = math.rsqrt %max3A_8 : vector<1000xf32>
    %reshape3A = vector.shape_cast %rsqrt3A : vector<1000xf32> to vector<1x1x1000xf32>
    %swap3A = arith.constant 0 : index
    %swap3A_9 = arith.constant 0 : index
    %swap3A_10 = arith.constant 0 : index
    %swap3A_11 = vector.load %arg3[%swap3A, %swap3A_9, %swap3A_10] : memref<1x1x1000xf32, #tpu.memory_space<vmem>>, vector<1x1x1000xf32>
    tpu.vector_store %arg3[%swap3A, %swap3A_9, %swap3A_10], %reshape3A {strides = array<i32>} : memref<1x1x1000xf32, #tpu.memory_space<vmem>>, vector<1x1x1000xf32>,
    %get3A_12 = arith.constant 0 : index
    %get3A_13 = arith.constant 0 : index
    %get3A_14 = vector.load %arg2[%get3A_12, %get3A_13] : memref<1000x128xf32, #tpu.memory_space<vmem>>, vector<1000x128xf32>
    %broadcast_in_dim3A = vector.shape_cast %rsqrt3A : vector<1000xf32> to vector<1000x1xf32>
    %mul3A = vector.broadcast %broadcast_in_dim3A : vector<1000x1xf32> to vector<1000x128xf32>
    %mul3A_15 = arith.mulf %mul3A, %get3A_14 : vector<1000x128xf32>
    %swap3A_16 = arith.constant 0 : index
    %swap3A_17 = arith.constant 0 : index
    %swap3A_18 = vector.load %arg4[%swap3A_16, %swap3A_17] : memref<1000x128xf32, #tpu.memory_space<vmem>>, vector<1000x128xf32>
    tpu.vector_store %arg4[%swap3A_16, %swap3A_17], %mul3A_15 {strides = array<i32>} : memref<1000x128xf32, #tpu.memory_space<vmem>>, vector<1000x128xf32>,
    %mul3A_19 = arith.mulf %get3A_14, %get3A_14 : vector<1000x128xf32>
    %reduce_sum3A_20 = arith.constant dense<0.000000e+00> : vector<1000xf32>
    %reduce_sum3A_21 = vector.multi_reduction <add>, %mul3A_19, %reduce_sum3A_20 [1] : vector<1000x128xf32> to vector<1000xf32>
    %max3A_22 = arith.constant 1.000000e-24 : f32
    %max3A_23 = vector.broadcast %max3A_22 : f32 to vector<1000xf32>
    %max3A_24 = arith.maximumf %reduce_sum3A_21, %max3A_23 : vector<1000xf32>
    %rsqrt3A_25 = math.rsqrt %max3A_24 : vector<1000xf32>
    %broadcast_in_dim3A_26 = vector.shape_cast %rsqrt3A_25 : vector<1000xf32> to vector<1000x1xf32>
    %mul3A_27 = vector.broadcast %broadcast_in_dim3A_26 : vector<1000x1xf32> to vector<1000x128xf32>
    %mul3A_28 = arith.mulf %mul3A_27, %get3A_14 : vector<1000x128xf32>
    %swap3A_29 = arith.constant 0 : index
    %swap3A_30 = arith.constant 0 : index
    %swap3A_31 = vector.load %arg5[%swap3A_29, %swap3A_30] : memref<1000x128xf32, #tpu.memory_space<vmem>>, vector<1000x128xf32>
    tpu.vector_store %arg5[%swap3A_29, %swap3A_30], %mul3A_28 {strides = array<i32>} : memref<1000x128xf32, #tpu.memory_space<vmem>>, vector<1000x128xf32>,
    %reshape3A_32 = vector.shape_cast %rsqrt3A_25 : vector<1000xf32> to vector<1x1x1000xf32>
    %swap3A_33 = arith.constant 0 : index
    %swap3A_34 = arith.constant 0 : index
    %swap3A_35 = arith.constant 0 : index
    %swap3A_36 = vector.load %arg6[%swap3A_33, %swap3A_34, %swap3A_35] : memref<1x1x1000xf32, #tpu.memory_space<vmem>>, vector<1x1x1000xf32>
    tpu.vector_store %arg6[%swap3A_33, %swap3A_34, %swap3A_35], %reshape3A_32 {strides = array<i32>} : memref<1x1x1000xf32, #tpu.memory_space<vmem>>, vector<1x1x1000xf32>,
    return
  }
  func.func @transform_0(%arg0: i32) -> (i32, i32, i32) {
    %c0_i32 = arith.constant 0 : i32
    %c0_i32_0 = arith.constant 0 : i32
    %c0_i32_1 = arith.constant 0 : i32
    return %arg0, %c0_i32, %c0_i32_0 : i32, i32, i32
  }
  func.func @transform_1(%arg0: i32) -> (i32, i32) {
    %c0_i32 = arith.constant 0 : i32
    %c0_i32_0 = arith.constant 0 : i32
    return %arg0, %c0_i32 : i32, i32
  }
  func.func @transform_2(%arg0: i32) -> (i32, i32, i32) {
    %c0_i32 = arith.constant 0 : i32
    %c0_i32_0 = arith.constant 0 : i32
    %c0_i32_1 = arith.constant 0 : i32
    return %arg0, %c0_i32, %c0_i32_0 : i32, i32, i32
  }
  func.func @transform_3(%arg0: i32) -> (i32, i32) {
    %c0_i32 = arith.constant 0 : i32
    %c0_i32_0 = arith.constant 0 : i32
    return %arg0, %c0_i32 : i32, i32
  }
  func.func @transform_4(%arg0: i32) -> (i32, i32) {
    %c0_i32 = arith.constant 0 : i32
    %c0_i32_0 = arith.constant 0 : i32
    return %arg0, %c0_i32 : i32, i32
  }
  func.func @transform_5(%arg0: i32) -> (i32, i32, i32) {
    %c0_i32 = arith.constant 0 : i32
    %c0_i32_0 = arith.constant 0 : i32
    %c0_i32_1 = arith.constant 0 : i32
    return %arg0, %c0_i32, %c0_i32_0 : i32, i32, i32
  }
}

module attributes {stable_mosaic.version = 14 : i64} {
  func.func @_k2_body(%arg0: i32, %arg1: memref<1000x128xf32, #tpu.memory_space<vmem>>, %arg2: memref<1000x128xf32, #tpu.memory_space<vmem>>, %arg3: memref<1000x128xf32, #tpu.memory_space<vmem>>, %arg4: memref<1x1x1000xf32, #tpu.memory_space<vmem>>, %arg5: memref<1x1x1000xf32, #tpu.memory_space<vmem>>, %arg6: memref<1x1xf32, #tpu.memory_space<vmem>>, %arg7: memref<128x128xf32, #tpu.memory_space<vmem>>, %arg8: memref<1x128xf32, #tpu.memory_space<vmem>>, %arg9: memref<128x128xf32, #tpu.memory_space<vmem>>, %arg10: memref<1x128xf32, #tpu.memory_space<vmem>>, %arg11: memref<128x128xf32, #tpu.memory_space<vmem>>, %arg12: memref<1x128xf32, #tpu.memory_space<vmem>>, %arg13: memref<128x128xf32, #tpu.memory_space<vmem>>, %arg14: memref<1x128xf32, #tpu.memory_space<vmem>>, %arg15: memref<128x128xf32, #tpu.memory_space<vmem>>, %arg16: memref<128x128xf32, #tpu.memory_space<vmem>>, %arg17: memref<1x128xf32, #tpu.memory_space<vmem>>, %arg18: memref<1000x128xf32, #tpu.memory_space<vmem>>) attributes {dimension_semantics = [#tpu.dimension_semantics<arbitrary>], iteration_bounds = array<i64: 10>, scalar_prefetch = 0 : i64, scratch_operands = 0 : i64, tpu.core_type = #tpu.core_type<tc>, window_params = [{transform_indices = @transform_0, window_bounds = array<i64: 1000, 128>}, {transform_indices = @transform_1, window_bounds = array<i64: 1000, 128>}, {transform_indices = @transform_2, window_bounds = array<i64: 1000, 128>}, {transform_indices = @transform_3, window_bounds = array<i64: 1, 1, 1000>}, {transform_indices = @transform_4, window_bounds = array<i64: 1, 1, 1000>}, {pipeline_mode = #tpu.pipeline_mode<synchronous>, transform_indices = @transform_5, window_bounds = array<i64: 1, 1>}, {pipeline_mode = #tpu.pipeline_mode<synchronous>, transform_indices = @transform_6, window_bounds = array<i64: 128, 128>}, {pipeline_mode = #tpu.pipeline_mode<synchronous>, transform_indices = @transform_7, window_bounds = array<i64: 1, 128>}, {pipeline_mode = #tpu.pipeline_mode<synchronous>, transform_indices = @transform_8, window_bounds = array<i64: 128, 128>}, {pipeline_mode = #tpu.pipeline_mode<synchronous>, transform_indices = @transform_9, window_bounds = array<i64: 1, 128>}, {pipeline_mode = #tpu.pipeline_mode<synchronous>, transform_indices = @transform_10, window_bounds = array<i64: 128, 128>}, {pipeline_mode = #tpu.pipeline_mode<synchronous>, transform_indices = @transform_11, window_bounds = array<i64: 1, 128>}, {pipeline_mode = #tpu.pipeline_mode<synchronous>, transform_indices = @transform_12, window_bounds = array<i64: 128, 128>}, {pipeline_mode = #tpu.pipeline_mode<synchronous>, transform_indices = @transform_13, window_bounds = array<i64: 1, 128>}, {pipeline_mode = #tpu.pipeline_mode<synchronous>, transform_indices = @transform_14, window_bounds = array<i64: 128, 128>}, {pipeline_mode = #tpu.pipeline_mode<synchronous>, transform_indices = @transform_15, window_bounds = array<i64: 128, 128>}, {pipeline_mode = #tpu.pipeline_mode<synchronous>, transform_indices = @transform_16, window_bounds = array<i64: 1, 128>}, {transform_indices = @transform_17, window_bounds = array<i64: 1000, 128>}]} {
    %get3A = arith.constant 0 : index
    %get3A_0 = arith.constant 0 : index
    %get3A_1 = vector.load %arg1[%get3A, %get3A_0] : memref<1000x128xf32, #tpu.memory_space<vmem>>, vector<1000x128xf32>
    %get3A_2 = arith.constant 0 : index
    %get3A_3 = arith.constant 0 : index
    %get3A_4 = arith.constant 0 : index
    %get3A_5 = vector.load %arg5[%get3A_2, %get3A_3, %get3A_4] : memref<1x1x1000xf32, #tpu.memory_space<vmem>>, vector<1x1x1000xf32>
    %get3A_6 = vector.shape_cast %get3A_5 : vector<1x1x1000xf32> to vector<1000xf32>
    %broadcast_in_dim3A = vector.shape_cast %get3A_6 : vector<1000xf32> to vector<1000x1xf32>
    %get3A_7 = arith.constant 0 : index
    %get3A_8 = arith.constant 0 : index
    %get3A_9 = vector.load %arg6[%get3A_7, %get3A_8] : memref<1x1xf32, #tpu.memory_space<vmem>>, vector<1x1xf32>
    %get3A_10 = vector.extract %get3A_9[0, 0] : f32 from vector<1x1xf32>
    %exp3A = math.exp %get3A_10 : f32
    %get3A_11 = arith.constant 0 : index
    %get3A_12 = arith.constant 0 : index
    %get3A_13 = vector.load %arg2[%get3A_11, %get3A_12] : memref<1000x128xf32, #tpu.memory_space<vmem>>, vector<1000x128xf32>
    %mul3A = vector.broadcast %broadcast_in_dim3A : vector<1000x1xf32> to vector<1000x128xf32>
    %mul3A_14 = arith.mulf %mul3A, %get3A_13 : vector<1000x128xf32>
    %mul3A_15 = arith.mulf %broadcast_in_dim3A, %broadcast_in_dim3A : vector<1000x1xf32>
    %mul3A_16 = vector.broadcast %mul3A_15 : vector<1000x1xf32> to vector<1000x128xf32>
    %mul3A_17 = arith.mulf %mul3A_16, %get3A_1 : vector<1000x128xf32>
    %add3A = arith.addf %mul3A_14, %mul3A_17 : vector<1000x128xf32>
    %get3A_18 = arith.constant 0 : index
    %get3A_19 = arith.constant 0 : index
    %get3A_20 = vector.load %arg7[%get3A_18, %get3A_19] : memref<128x128xf32, #tpu.memory_space<vmem>>, vector<128x128xf32>
    %dot_general3A = arith.constant dense<0.000000e+00> : vector<1000x128xf32>
    %dot_general3A_21 = tpu.matmul %add3A, %get3A_20, %dot_general3A {dimension_numbers = #tpu.dot_dimension_numbers<[1], [0], [0], [1], [0, 0, 1, 1], [], []>, transpose_lhs_hint = false} : vector<1000x128xf32>, vector<128x128xf32>, vector<1000x128xf32> -> vector<1000x128xf32>
    %get3A_22 = arith.constant 0 : index
    %get3A_23 = arith.constant 0 : index
    %get3A_24 = vector.load %arg8[%get3A_22, %get3A_23] : memref<1x128xf32, #tpu.memory_space<vmem>>, vector<1x128xf32>
    %add3A_25 = vector.broadcast %get3A_24 : vector<1x128xf32> to vector<1000x128xf32>
    %add3A_26 = arith.addf %dot_general3A_21, %add3A_25 : vector<1000x128xf32>
    %get3A_27 = arith.constant 0 : index
    %get3A_28 = arith.constant 0 : index
    %get3A_29 = vector.load %arg9[%get3A_27, %get3A_28] : memref<128x128xf32, #tpu.memory_space<vmem>>, vector<128x128xf32>
    %dot_general3A_30 = arith.constant dense<0.000000e+00> : vector<1000x128xf32>
    %dot_general3A_31 = tpu.matmul %add3A, %get3A_29, %dot_general3A_30 {dimension_numbers = #tpu.dot_dimension_numbers<[1], [0], [0], [1], [0, 0, 1, 1], [], []>, transpose_lhs_hint = false} : vector<1000x128xf32>, vector<128x128xf32>, vector<1000x128xf32> -> vector<1000x128xf32>
    %get3A_32 = arith.constant 0 : index
    %get3A_33 = arith.constant 0 : index
    %get3A_34 = vector.load %arg10[%get3A_32, %get3A_33] : memref<1x128xf32, #tpu.memory_space<vmem>>, vector<1x128xf32>
    %add3A_35 = vector.broadcast %get3A_34 : vector<1x128xf32> to vector<1000x128xf32>
    %add3A_36 = arith.addf %dot_general3A_31, %add3A_35 : vector<1000x128xf32>
    %get3A_37 = arith.constant 0 : index
    %get3A_38 = arith.constant 0 : index
    %get3A_39 = vector.load %arg3[%get3A_37, %get3A_38] : memref<1000x128xf32, #tpu.memory_space<vmem>>, vector<1000x128xf32>
    %mul3A_40 = vector.broadcast %exp3A : f32 to vector<1000x128xf32>
    %mul3A_41 = arith.mulf %mul3A_40, %get3A_1 : vector<1000x128xf32>
    %add3A_42 = arith.addf %get3A_39, %mul3A_41 : vector<1000x128xf32>
    %get3A_43 = arith.constant 0 : index
    %get3A_44 = arith.constant 0 : index
    %get3A_45 = arith.constant 0 : index
    %get3A_46 = vector.load %arg4[%get3A_43, %get3A_44, %get3A_45] : memref<1x1x1000xf32, #tpu.memory_space<vmem>>, vector<1x1x1000xf32>
    %get3A_47 = vector.shape_cast %get3A_46 : vector<1x1x1000xf32> to vector<1000xf32>
    %broadcast_in_dim3A_48 = vector.shape_cast %get3A_47 : vector<1000xf32> to vector<1000x1xf32>
    %add3A_49 = vector.broadcast %exp3A : f32 to vector<1000x1xf32>
    %add3A_50 = arith.addf %broadcast_in_dim3A_48, %add3A_49 : vector<1000x1xf32>
    %div3A = vector.broadcast %add3A_50 : vector<1000x1xf32> to vector<1000x128xf32>
    %div3A_51 = arith.divf %add3A_42, %div3A : vector<1000x128xf32>
    %get3A_52 = arith.constant 0 : index
    %get3A_53 = arith.constant 0 : index
    %get3A_54 = vector.load %arg11[%get3A_52, %get3A_53] : memref<128x128xf32, #tpu.memory_space<vmem>>, vector<128x128xf32>
    %dot_general3A_55 = arith.constant dense<0.000000e+00> : vector<1000x128xf32>
    %dot_general3A_56 = tpu.matmul %add3A_26, %get3A_54, %dot_general3A_55 {dimension_numbers = #tpu.dot_dimension_numbers<[1], [0], [0], [1], [0, 0, 1, 1], [], []>, transpose_lhs_hint = false} : vector<1000x128xf32>, vector<128x128xf32>, vector<1000x128xf32> -> vector<1000x128xf32>
    %get3A_57 = arith.constant 0 : index
    %get3A_58 = arith.constant 0 : index
    %get3A_59 = vector.load %arg12[%get3A_57, %get3A_58] : memref<1x128xf32, #tpu.memory_space<vmem>>, vector<1x128xf32>
    %add3A_60 = vector.broadcast %get3A_59 : vector<1x128xf32> to vector<1000x128xf32>
    %add3A_61 = arith.addf %dot_general3A_56, %add3A_60 : vector<1000x128xf32>
    %tanh3A = math.tanh %add3A_61 : vector<1000x128xf32>
    %get3A_62 = arith.constant 0 : index
    %get3A_63 = arith.constant 0 : index
    %get3A_64 = vector.load %arg11[%get3A_62, %get3A_63] : memref<128x128xf32, #tpu.memory_space<vmem>>, vector<128x128xf32>
    %dot_general3A_65 = arith.constant dense<0.000000e+00> : vector<1000x128xf32>
    %dot_general3A_66 = tpu.matmul %add3A_36, %get3A_64, %dot_general3A_65 {dimension_numbers = #tpu.dot_dimension_numbers<[1], [0], [0], [1], [0, 0, 1, 1], [], []>, transpose_lhs_hint = false} : vector<1000x128xf32>, vector<128x128xf32>, vector<1000x128xf32> -> vector<1000x128xf32>
    %get3A_67 = arith.constant 0 : index
    %get3A_68 = arith.constant 0 : index
    %get3A_69 = vector.load %arg12[%get3A_67, %get3A_68] : memref<1x128xf32, #tpu.memory_space<vmem>>, vector<1x128xf32>
    %add3A_70 = vector.broadcast %get3A_69 : vector<1x128xf32> to vector<1000x128xf32>
    %add3A_71 = arith.addf %dot_general3A_66, %add3A_70 : vector<1000x128xf32>
    %tanh3A_72 = math.tanh %add3A_71 : vector<1000x128xf32>
    %get3A_73 = arith.constant 0 : index
    %get3A_74 = arith.constant 0 : index
    %get3A_75 = vector.load %arg13[%get3A_73, %get3A_74] : memref<128x128xf32, #tpu.memory_space<vmem>>, vector<128x128xf32>
    %dot_general3A_76 = arith.constant dense<0.000000e+00> : vector<1000x128xf32>
    %dot_general3A_77 = tpu.matmul %get3A_1, %get3A_75, %dot_general3A_76 {dimension_numbers = #tpu.dot_dimension_numbers<[1], [0], [0], [1], [0, 0, 1, 1], [], []>, transpose_lhs_hint = false} : vector<1000x128xf32>, vector<128x128xf32>, vector<1000x128xf32> -> vector<1000x128xf32>
    %get3A_78 = arith.constant 0 : index
    %get3A_79 = arith.constant 0 : index
    %get3A_80 = vector.load %arg14[%get3A_78, %get3A_79] : memref<1x128xf32, #tpu.memory_space<vmem>>, vector<1x128xf32>
    %add3A_81 = vector.broadcast %get3A_80 : vector<1x128xf32> to vector<1000x128xf32>
    %add3A_82 = arith.addf %dot_general3A_77, %add3A_81 : vector<1000x128xf32>
    %tanh3A_83 = math.tanh %add3A_82 : vector<1000x128xf32>
    %mul3A_84 = arith.mulf %tanh3A, %tanh3A_83 : vector<1000x128xf32>
    %reduce_sum3A = arith.constant dense<0.000000e+00> : vector<1000xf32>
    %reduce_sum3A_85 = vector.multi_reduction <add>, %mul3A_84, %reduce_sum3A [1] : vector<1000x128xf32> to vector<1000xf32>
    %mul3A_86 = arith.mulf %tanh3A_72, %tanh3A_83 : vector<1000x128xf32>
    %reduce_sum3A_87 = arith.constant dense<0.000000e+00> : vector<1000xf32>
    %reduce_sum3A_88 = vector.multi_reduction <add>, %mul3A_86, %reduce_sum3A_87 [1] : vector<1000x128xf32> to vector<1000xf32>
    %max3A = arith.maximumf %reduce_sum3A_85, %reduce_sum3A_88 : vector<1000xf32>
    %sub3A = arith.subf %reduce_sum3A_85, %max3A : vector<1000xf32>
    %exp3A_89 = math.exp %sub3A : vector<1000xf32>
    %sub3A_90 = arith.subf %reduce_sum3A_88, %max3A : vector<1000xf32>
    %exp3A_91 = math.exp %sub3A_90 : vector<1000xf32>
    %broadcast_in_dim3A_92 = vector.shape_cast %exp3A_89 : vector<1000xf32> to vector<1000x1xf32>
    %mul3A_93 = vector.broadcast %broadcast_in_dim3A_92 : vector<1000x1xf32> to vector<1000x128xf32>
    %mul3A_94 = arith.mulf %add3A_26, %mul3A_93 : vector<1000x128xf32>
    %broadcast_in_dim3A_95 = vector.shape_cast %exp3A_91 : vector<1000xf32> to vector<1000x1xf32>
    %mul3A_96 = vector.broadcast %broadcast_in_dim3A_95 : vector<1000x1xf32> to vector<1000x128xf32>
    %mul3A_97 = arith.mulf %add3A_36, %mul3A_96 : vector<1000x128xf32>
    %add3A_98 = arith.addf %mul3A_94, %mul3A_97 : vector<1000x128xf32>
    %add3A_99 = arith.addf %exp3A_89, %exp3A_91 : vector<1000xf32>
    %broadcast_in_dim3A_100 = vector.shape_cast %add3A_99 : vector<1000xf32> to vector<1000x1xf32>
    %div3A_101 = vector.broadcast %broadcast_in_dim3A_100 : vector<1000x1xf32> to vector<1000x128xf32>
    %div3A_102 = arith.divf %add3A_98, %div3A_101 : vector<1000x128xf32>
    %get3A_103 = arith.constant 0 : index
    %get3A_104 = arith.constant 0 : index
    %get3A_105 = vector.load %arg15[%get3A_103, %get3A_104] : memref<128x128xf32, #tpu.memory_space<vmem>>, vector<128x128xf32>
    %dot_general3A_106 = arith.constant dense<0.000000e+00> : vector<1000x128xf32>
    %dot_general3A_107 = tpu.matmul %div3A_102, %get3A_105, %dot_general3A_106 {dimension_numbers = #tpu.dot_dimension_numbers<[1], [0], [0], [1], [0, 0, 1, 1], [], []>, transpose_lhs_hint = false} : vector<1000x128xf32>, vector<128x128xf32>, vector<1000x128xf32> -> vector<1000x128xf32>
    %get3A_108 = arith.constant 0 : index
    %get3A_109 = arith.constant 0 : index
    %get3A_110 = vector.load %arg16[%get3A_108, %get3A_109] : memref<128x128xf32, #tpu.memory_space<vmem>>, vector<128x128xf32>
    %dot_general3A_111 = arith.constant dense<0.000000e+00> : vector<1000x128xf32>
    %dot_general3A_112 = tpu.matmul %div3A_51, %get3A_110, %dot_general3A_111 {dimension_numbers = #tpu.dot_dimension_numbers<[1], [0], [0], [1], [0, 0, 1, 1], [], []>, transpose_lhs_hint = false} : vector<1000x128xf32>, vector<128x128xf32>, vector<1000x128xf32> -> vector<1000x128xf32>
    %add3A_113 = arith.addf %dot_general3A_107, %dot_general3A_112 : vector<1000x128xf32>
    %get3A_114 = arith.constant 0 : index
    %get3A_115 = arith.constant 0 : index
    %get3A_116 = vector.load %arg17[%get3A_114, %get3A_115] : memref<1x128xf32, #tpu.memory_space<vmem>>, vector<1x128xf32>
    %add3A_117 = vector.broadcast %get3A_116 : vector<1x128xf32> to vector<1000x128xf32>
    %add3A_118 = arith.addf %add3A_113, %add3A_117 : vector<1000x128xf32>
    %swap3A = arith.constant 0 : index
    %swap3A_119 = arith.constant 0 : index
    %swap3A_120 = vector.load %arg18[%swap3A, %swap3A_119] : memref<1000x128xf32, #tpu.memory_space<vmem>>, vector<1000x128xf32>
    tpu.vector_store %arg18[%swap3A, %swap3A_119], %add3A_118 {strides = array<i32>} : memref<1000x128xf32, #tpu.memory_space<vmem>>, vector<1000x128xf32>,
    return
  }
  func.func @transform_0(%arg0: i32) -> (i32, i32) {
    %c0_i32 = arith.constant 0 : i32
    %c0_i32_0 = arith.constant 0 : i32
    return %arg0, %c0_i32 : i32, i32
  }
  func.func @transform_1(%arg0: i32) -> (i32, i32) {
    %c0_i32 = arith.constant 0 : i32
    %c0_i32_0 = arith.constant 0 : i32
    return %arg0, %c0_i32 : i32, i32
  }
  func.func @transform_2(%arg0: i32) -> (i32, i32) {
    %c0_i32 = arith.constant 0 : i32
    %c0_i32_0 = arith.constant 0 : i32
    return %arg0, %c0_i32 : i32, i32
  }
  func.func @transform_3(%arg0: i32) -> (i32, i32, i32) {
    %c0_i32 = arith.constant 0 : i32
    %c0_i32_0 = arith.constant 0 : i32
    %c0_i32_1 = arith.constant 0 : i32
    return %arg0, %c0_i32, %c0_i32_0 : i32, i32, i32
  }
  func.func @transform_4(%arg0: i32) -> (i32, i32, i32) {
    %c0_i32 = arith.constant 0 : i32
    %c0_i32_0 = arith.constant 0 : i32
    %c0_i32_1 = arith.constant 0 : i32
    return %arg0, %c0_i32, %c0_i32_0 : i32, i32, i32
  }
  func.func @transform_5(%arg0: i32) -> (i32, i32) {
    %c0_i32 = arith.constant 0 : i32
    %c0_i32_0 = arith.constant 0 : i32
    %c0_i32_1 = arith.constant 0 : i32
    return %c0_i32, %c0_i32_0 : i32, i32
  }
  func.func @transform_6(%arg0: i32) -> (i32, i32) {
    %c0_i32 = arith.constant 0 : i32
    %c0_i32_0 = arith.constant 0 : i32
    %c0_i32_1 = arith.constant 0 : i32
    return %c0_i32, %c0_i32_0 : i32, i32
  }
  func.func @transform_7(%arg0: i32) -> (i32, i32) {
    %c0_i32 = arith.constant 0 : i32
    %c0_i32_0 = arith.constant 0 : i32
    %c0_i32_1 = arith.constant 0 : i32
    return %c0_i32, %c0_i32_0 : i32, i32
  }
  func.func @transform_8(%arg0: i32) -> (i32, i32) {
    %c0_i32 = arith.constant 0 : i32
    %c0_i32_0 = arith.constant 0 : i32
    %c0_i32_1 = arith.constant 0 : i32
    return %c0_i32, %c0_i32_0 : i32, i32
  }
  func.func @transform_9(%arg0: i32) -> (i32, i32) {
    %c0_i32 = arith.constant 0 : i32
    %c0_i32_0 = arith.constant 0 : i32
    %c0_i32_1 = arith.constant 0 : i32
    return %c0_i32, %c0_i32_0 : i32, i32
  }
  func.func @transform_10(%arg0: i32) -> (i32, i32) {
    %c0_i32 = arith.constant 0 : i32
    %c0_i32_0 = arith.constant 0 : i32
    %c0_i32_1 = arith.constant 0 : i32
    return %c0_i32, %c0_i32_0 : i32, i32
  }
  func.func @transform_11(%arg0: i32) -> (i32, i32) {
    %c0_i32 = arith.constant 0 : i32
    %c0_i32_0 = arith.constant 0 : i32
    %c0_i32_1 = arith.constant 0 : i32
    return %c0_i32, %c0_i32_0 : i32, i32
  }
  func.func @transform_12(%arg0: i32) -> (i32, i32) {
    %c0_i32 = arith.constant 0 : i32
    %c0_i32_0 = arith.constant 0 : i32
    %c0_i32_1 = arith.constant 0 : i32
    return %c0_i32, %c0_i32_0 : i32, i32
  }
  func.func @transform_13(%arg0: i32) -> (i32, i32) {
    %c0_i32 = arith.constant 0 : i32
    %c0_i32_0 = arith.constant 0 : i32
    %c0_i32_1 = arith.constant 0 : i32
    return %c0_i32, %c0_i32_0 : i32, i32
  }
  func.func @transform_14(%arg0: i32) -> (i32, i32) {
    %c0_i32 = arith.constant 0 : i32
    %c0_i32_0 = arith.constant 0 : i32
    %c0_i32_1 = arith.constant 0 : i32
    return %c0_i32, %c0_i32_0 : i32, i32
  }
  func.func @transform_15(%arg0: i32) -> (i32, i32) {
    %c0_i32 = arith.constant 0 : i32
    %c0_i32_0 = arith.constant 0 : i32
    %c0_i32_1 = arith.constant 0 : i32
    return %c0_i32, %c0_i32_0 : i32, i32
  }
  func.func @transform_16(%arg0: i32) -> (i32, i32) {
    %c0_i32 = arith.constant 0 : i32
    %c0_i32_0 = arith.constant 0 : i32
    %c0_i32_1 = arith.constant 0 : i32
    return %c0_i32, %c0_i32_0 : i32, i32
  }
  func.func @transform_17(%arg0: i32) -> (i32, i32) {
    %c0_i32 = arith.constant 0 : i32
    %c0_i32_0 = arith.constant 0 : i32
    return %arg0, %c0_i32 : i32, i32
  }
}

</mosaic_0001>

<sc_bundles>
// kernel: kernel.10.cloned.1.call-start
scs
__scs_entry_jumppad:
0x0: {  	(pc) =	sbr.rel $0x88, $3  }
0x1: {  	(tag) =	ssettag $0x0;
	lr =	simm.s32 $0x1  }
0x2: {  	[smem:$0x3F8E] =	sst lr;
	_ =	strace $0xD0000000  }
0x3: {  	_ = 	snop  }
0x4: {  	_ = 	snop  }
0x5: {  	_ = 	snop  }
0x6: {  	_ = 	snop  }
0x7: {  	_ = 	snop  }
__scs_overlays_trampoline_lowered:
0x8: {  	[smem:$0x3F9D] =	sst s0  }
0x9: {  	[smem:$0x3F9E] =	sst s1  }
0xa: {  	[smem:$0x3F9F] =	sst s2  }
0xb: {  	[smem:$0x3FA0] =	sst s3  }
0xc: {  	[smem:$0x3FA1] =	sst s4  }
0xd: {  	[smem:$0x3FA2] =	sst s5  }
0xe: {  	[smem:$0x3FA3] =	sst s6  }
0xf: {  	[smem:$0x3FA4] =	sst s7  }
0x10: {  	[smem:$0x3FA5] =	sst s8  }
0x11: {  	[smem:$0x3FA6] =	sst s9;
	s0 =	simm.s32 @!p0 $0x0  }
0x12: {  	s1 =	sld [smem:$0x3F8C];
	s0 =	simm.s32 @p0 $0x1  }
0x13: {  	[smem:$0x3FA7] =	sst s0;
	s0 =	simm.s32 @!p1 $0x0  }
0x14: {  	s2 =	sld [smem:$0x3F8B];
	s0 =	simm.s32 @p1 $0x1  }
0x15: {  	[smem:$0x3FA8] =	sst s0;
	s0 =	simm.s32 @!p2 $0x0  }
0x16: {  	s3 =	sld [smem:$0x3FDB];
	s0 =	simm.s32 @p2 $0x1  }
0x17: {  	s4 =	simm.s32 $0x1BF5;
	[smem:$0x3FAA] =	sst s0  }
0x18: {  	s0 =	sld [smem:$0x3F8D];
	_ =	swait.ge [sflag:s4], $0x0  }
0x19: {  	s7 =	sld [smem:$0x3F8E]  }
0x1a: {  	s8 =	sadd.s32 $0xFFFFE003, lr  }
0x1b: {  	s9 =	sadd.s32 $0xFFFFFEF7, lr;
	s5 =	simm.s32 $0xFFFFFFFF;
	p2 =	slt.u32 s8, $0xFFFFF086  }
0x1c: {  	p1 =	slt.u32 s9, $0xF7A;
	s5 =	simm.s32 @!p2 $0x0  }
0x1d: {  	s5 =	simm.s32 @p1 $0x1;
	p0 =	seq.s32 s7, s2  }
0x1e: {  	s7 =	smul.u32 @!p0 $0xF7A, s2;
	p2 =	seq.s32 @!p0 s5, $0x0  }
0x1f: {  	s9 =	smul.u32 $0xF7A, s1;
	s8 =	simm.s32 @!p0 $0x1BF5;
	p2 =	por !p2, p0  }
0x20: {  	[sflag:s8] =	ssyncset.s32 @!p0 $0xFFFFF086;
	s6 =	sadd.s32 @!p0 s3, s7;
	s7 =	simm.s32 @!p0 $0x108  }
0x21: {  	s3 =	sadd.s32 s3, s9;
	s6 =	sadd.s32 @!p0 $0x88, s6;
	s7 =	simm.s32 @p2 $0x1082  }
0x22: {  	[simem:s7], [sflag:s8] =	dma.local @!p0 [hbm:s6], $0xF7A  }
0x23: {  	s9 =	sor.u32 $0xD0000000, s2;
	s6 =	simm.s32 $0x108;
	_ =	swait.ge @!p0 [sflag:s8], $0x0  }
0x24: {  	s3 =	sadd.s32 $0x88, s3;
	s6 =	simm.s32 @!p1 $0x1082;
	[sflag:s4] =	ssyncset.s32 $0xFFFFF086  }
0x25: {  	[simem:s6], [sflag:s4] =	dma.local [hbm:s3], $0xF7A  }
0x26: {  	[smem:$0x3F8E] =	sst s1;
	(tag) =	ssettag s2;
	_ =	strace s9  }
0x27: {  	s1 =	sld [smem:$0x3F9E]  }
0x28: {  	s2 =	sld [smem:$0x3F9F]  }
0x29: {  	s4 =	sld [smem:$0x3FA1]  }
0x2a: {  	p0 =	seq.s32 s5, $0x0;
	s5 =	sld [smem:$0x3FA2]  }
0x2b: {  	s6 =	sld [smem:$0x3FA3]  }
0x2c: {  	s7 =	sld [smem:$0x3FA4]  }
0x2d: {  	s3 =	simm.s32 $0x108;
	s8 =	sld [smem:$0x3FA5]  }
0x2e: {  	s3 =	simm.s32 @!p0 $0x1082;
	s9 =	sld [smem:$0x3FA6]  }
0x2f: {  	lr =	sadd.s32 s0, s3;
	s0 =	sld [smem:$0x3F9D]  }
0x30: {  	s3 =	sld [smem:$0x3FA0]  }
0x31: {  	[smem:$0x3FA9] =	sst s10  }
0x32: {  	s10 =	sld [smem:$0x3FA7];
	_ =	sdelay $0x3  }
0x33: {  	p0 =	seq.s32 s10, $0x1;
	s10 =	sld [smem:$0x3FA9];
	_ =	sdelay $0x3  }
0x34: {  	[smem:$0x3FA9] =	sst s10  }
0x35: {  	s10 =	sld [smem:$0x3FA8];
	_ =	sdelay $0x3  }
0x36: {  	p1 =	seq.s32 s10, $0x1;
	s10 =	sld [smem:$0x3FA9];
	_ =	sdelay $0x3  }
0x37: {  	[smem:$0x3FA9] =	sst s10  }
0x38: {  	s10 =	sld [smem:$0x3FAA]  }
0x39: {  	_ = 	snop;
	(pc) =	sbr.ind lr, $3  }
0x3a: {  	_ = 	snop  }
0x3b: {  	_ = 	snop  }
0x3c: {  	p2 =	seq.s32 s10, $0x1;
	s10 =	sld [smem:$0x3FA9]  }
0x3d: {  	_ =	shalt  }
0x3e: {  	_ =	shalt  }
0x3f: {  	_ =	shalt  }
0x40: {  	_ =	shalt  }
0x41: {  	_ =	shalt  }
0x42: {  	_ =	shalt  }
0x43: {  	_ =	shalt  }
0x44: {  	_ =	shalt  }
0x45: {  	_ =	shalt  }
0x46: {  	_ =	shalt  }
0x47: {  	_ =	shalt  }
0x48: {  	_ =	shalt  }
0x49: {  	_ =	shalt  }
0x4a: {  	_ =	shalt  }
0x4b: {  	_ =	shalt  }
0x4c: {  	_ =	shalt  }
0x4d: {  	_ =	shalt  }
0x4e: {  	_ =	shalt  }
0x4f: {  	_ =	shalt  }
0x50: {  	_ =	shalt  }
0x51: {  	_ =	shalt  }
0x52: {  	_ =	shalt  }
0x53: {  	_ =	shalt  }
0x54: {  	_ =	shalt  }
0x55: {  	_ =	shalt  }
0x56: {  	_ =	shalt  }
0x57: {  	_ =	shalt  }
0x58: {  	_ =	shalt  }
0x59: {  	_ =	shalt  }
0x5a: {  	_ =	shalt  }
0x5b: {  	_ =	shalt  }
0x5c: {  	_ =	shalt  }
0x5d: {  	_ =	shalt  }
0x5e: {  	_ =	shalt  }
0x5f: {  	_ =	shalt  }
0x60: {  	_ =	shalt  }
0x61: {  	_ =	shalt  }
0x62: {  	_ =	shalt  }
0x63: {  	_ =	shalt  }
0x64: {  	_ =	shalt  }
0x65: {  	_ =	shalt  }
0x66: {  	_ =	shalt  }
0x67: {  	_ =	shalt  }
0x68: {  	_ =	shalt  }
0x69: {  	_ =	shalt  }
0x6a: {  	_ =	shalt  }
0x6b: {  	_ =	shalt  }
0x6c: {  	_ =	shalt  }
0x6d: {  	_ =	shalt  }
0x6e: {  	_ =	shalt  }
0x6f: {  	_ =	shalt  }
0x70: {  	_ =	shalt  }
0x71: {  	_ =	shalt  }
0x72: {  	_ =	shalt  }
0x73: {  	_ =	shalt  }
0x74: {  	_ =	shalt  }
0x75: {  	_ =	shalt  }
0x76: {  	_ =	shalt  }
0x77: {  	_ =	shalt  }
0x78: {  	_ =	shalt  }
0x79: {  	_ =	shalt  }
0x7a: {  	_ =	shalt  }
0x7b: {  	_ =	shalt  }
0x7c: {  	_ =	shalt  }
0x7d: {  	_ =	shalt  }
0x7e: {  	_ =	shalt  }
0x7f: {  	_ =	shalt  }
0x80: {  	_ =	shalt  }
0x81: {  	_ =	shalt  }
0x82: {  	_ =	shalt  }
0x83: {  	_ =	shalt  }
0x84: {  	_ =	shalt  }
0x85: {  	_ =	shalt  }
0x86: {  	_ =	shalt  }
0x87: {  	_ =	shalt  }
.Lfunc_end0:
.L_simem_size_0:
called_computation.1_lowered:
.L_overlay_start_0:
0x88: {  	s2 =	sld [smem:$0x3FD9]  }
0x89: {  	s3 =	sld [smem:$0x3FFE];
	_ =	sdelay $0x1  }
0x8a: {  	s1 =	srdreg.scid  }
0x8b: {  	s0 =	sand.u32 $0x1, s1  }
0x8c: {  	s17 =	sshll.u32 s0, $0xA;
	s2 =	sadd.s32 s3, s2  }
0x8d: {  	s2 =	sadd.s32 s2, s17  }
0x8e: {  	[smem:$0x3FB5] =	sst s2  }
0x8f: {  	_ = 	snop  }
0x90: {  	s2 =	sld [smem:$0x3FD0];
	(tm) =	ssettm $0x1  }
0x91: {  	s18 =	sld [smem:$0x3FFB];
	_ =	sdelay $0x3  }
0x92: {  	_ =	strace s18  }
0x93: {  	s3 =	sld [smem:$0x3FFC];
	_ =	sdelay $0x3  }
0x94: {  	_ =	strace s3  }
0x95: {  	s3 =	sld [smem:$0x3FFD];
	_ =	sdelay $0x3  }
0x96: {  	_ =	strace s3  }
0x97: {  	_ =	strace $0x8FFFFFFF  }
0x98: {  	s19 =	sld [smem:$0x3FDB];
	_ =	sdelay $0x1  }
0x99: {  	s4 =	simm.s32 $_scs_section_size  }
0x9a: {  	s5 =	simm.s32 $_size__tile_overlayer_lowered;
	s6 =	simm.s32 $_tile_overlayer_lowered  }
0x9b: {  	s22 =	simm.s32 $0x1BFF;
	s21 =	sshll.u32 s6, $0x1;
	s3 =	sadd.s32 s4, s19  }
0x9c: {  	s7 =	simm.s32 $0x0;
	s20 =	sshll.u32 s5, $0x1;
	s5 =	sadd.s32 s21, s3  }
0x9d: {  	[timem:s7], [sflag:s22] =	dma.local [hbm:s5], s20  }
0x9e: {  	_ =	swait.ge [sflag:s22], s20  }
0x9f: {  	s4 =	ssub.s32 $0x0, s20;
	[sflag:s22] =	ssyncset.done $0x0  }
0xa0: {  	[sflag:s22] =	ssyncadd.s32 s4;
	_ =	sdelay $0x1  }
0xa1: {  	s23 =	simm.s32 $0x1B8B  }
0xa2: {  	_ =	swait.ge [sflag:s23], $0x1  }
0xa3: {  	[sflag:s23] =	ssyncset.done $0x0  }
0xa4: {  	s25 =	simm.s32 $0x1B8E;
	s24 =	sld [smem:$0x3FFE];
	[sflag:s23] =	ssyncadd.s32 $0xFFFFFFFF  }
0xa5: {  	s26 =	simm.s32 $execute0_lowered;
	[smem:$0x3FD2] =	sst s25  }
0xa6: {  	s5 =	sshll.u32 s26, $0x1;
	_ =	strace $0x80000049;
	[dreg:$0x1] =	wrdreg $0xFFFFFFFF  }
0xa7: {  	s28 =	simm.s32 $_size_execute0_lowered;
	s3 =	sadd.s32 s3, s5;
	[dreg:$0x0] =	wrdreg $0x0  }
0xa8: {  	s5 =	sshll.u32 s28, $0x1;
	[dreg:$0x2] =	wrdreg s3  }
0xa9: {  	[dreg:$0x3] =	wrdreg s5  }
0xaa: {  	[dreg:$0x4] =	wrdreg $0xC0  }
0xab: {  	_ =	task [dreg:s7], $0x5FFFF  }
0xac: {  	[dreg:$0x1] =	wrdreg $0xFFFFFFFF  }
0xad: {  	[dreg:$0x0] =	wrdreg $0x60  }
0xae: {  	[dreg:$0x2] =	wrdreg s24  }
0xaf: {  	[dreg:$0x3] =	wrdreg s2  }
0xb0: {  	[dreg:$0x4] =	wrdreg $0x7DB00  }
0xb1: {  	[dreg:$0x5] =	wrdreg $0x1BDB00  }
0xb2: {  	[dreg:$0x6] =	wrdreg $0x9  }
0xb3: {  	_ =	task.clear_ibuf [dreg:s7], $0x7FFFF;
	_ =	strace $0x90000049  }
0xb4: {  	s29 =	simm.s32 $0x9;
	_ =	strace $0x8000004B  }
0xb5: {  	_ =	swait.ge [sflag:s29], $0x1  }
0xb6: {  	[sflag:s29] =	ssyncadd.s32 $0xFFFFFFFF  }
0xb7: {  	_ =	strace $0x9000004B  }
0xb8: {  	_ =	sfence  }
0xb9: {  	s30 =	sld [smem:$0x0];
	_ =	sdelay $0x2  }
0xba: {  	s31 =	sshll.u32 s1, $0xD;
	s1 =	sshrl.u32 s1, $0x2  }
0xbb: {  	s3 =	sand.u32 $0x4000, s31;
	s1 =	sadd.s32 s1, s30  }
0xbc: {  	s0 =	sor.u32 s3, s0;
	s1 =	sshll.u32 s1, $0x11  }
0xbd: {  	s0 =	sor.u32 s1, s0  }
0xbe: {  	s0 =	sadd.s32 $0x8F2B, s0  }
0xbf: {  	[sflag:s0] =	ssyncadd.remote.s32 $0x1  }
0xc0: {  	_ =	sfence.sel $0xFFFF  }
0xc1: {  	[dreg:$0x0] =	wrdreg $0xFFFFFFFF;
	(pc) =	sbr.abs _section_cstart, $3  }
0xc2: {  	[dreg:$0x1] =	wrdreg $0xFFFFFFFF  }
0xc3: {  	_ =	task.clear_ibuf [dreg:s7], $0x2FFFF;
	_ =	strace $0x9FFFFFFF  }
0xc4: {  	(tm) =	ssettm $0x7FFFFFFF  }
0xc5: {  	_ =	shalt  }
tec
execute0_lowered:
.L_overlay_start_1:
0x0: {  	(tag) =	ssettag $0x1  }
0x1: {  	s0 =	rddreg [dreg:$0x0]  }
0x2: {  	s2 =	rddreg [dreg:$0x2]  }
0x3: {  	s16 =	rddreg [dreg:$0x3]  }
0x4: {  	s5 =	simm.s32 $0x0;
	s17 =	stileid.u32;
	s1 =	srdreg.scid  }
0x5: {  	s18 =	simm.s32 $0x7;
	s28 =	simm.s32 $0x1;
	s29 =	simm.s32 $0x28  }
0x6: {  	s30 =	simm.s32 $0x28B0;
	s31 =	simm.s32 $0x50B0;
	s21 =	simm.s32 $0x4  }
0x7: {  	s20 =	simm.s32 $0x5;
	[smem:$0x7FF] =	sst s5;
	s6 =	sadd.s32 $0x26400, s0  }
0x8: {  	s7 =	sadd.s32 $0x4D600, s0;
	s3 =	smul.u32 $0x14000, s17;
	s1 =	sand.u32 $0x1, s1  }
0x9: {  	s8 =	sadd.s32 $0x74800, s0;
	s9 =	sadd.s32 $0x3600, s0;
	s10 =	sadd.s32 $0xD400, s0  }
0xa: {  	s12 =	smul.u32 $0x2800, s17;
	s25 =	sshll.u32 s17, $0x6;
	_ =	strace $0x8000004A  }
0xb: {  	s4 =	smul.u32 $0x140000, s1;
	s13 =	ssub.s32 $0x2, s1;
	s19 =	sor.u32 $0x1C07, s25  }
0xc: {  	p0 =	sne.s32 s1, $0x0;
	p1 =	seq.s32 s1, $0x0;
	s25 =	simm.s32 $0x50  }
0xd: {  	s11 =	sshrl.u32 s3, $0x3;
	s14 =	sshrl.u32 s12, $0x3;
	s15 =	sshrl.u32 s13, $0x1  }
0xe: {  	s22 =	sadd.s32 s12, s16;
	s16 =	simm.s32 $0x2;
	s12 =	simm.s32 $0x6  }
0xf: {  	[dreg:$0xb] =	wrdreg s19;
	s11 =	sadd.s32 s11, s0;
	s4 =	sadd.s32 s3, s4  }
0x10: {  	s13 =	ssub.s32 s13, s15;
	s3 =	sadd.s32 s3, s2;
	[dreg:$0x6] =	wrdreg s22  }
0x11: {  	s26 =	sshrl.u32 s22, $0x3;
	s22 =	simm.s32 $0x10;
	s15 =	simm.s32 $0x3  }
0x12: {  	s4 =	sshrl.u32 s4, $0x3;
	s11 =	sadd.s32 $0x9BA00, s11;
	s24 =	smax.u32 s13, $0x1  }
0x13: {  	[dreg:$0xd] =	wrdreg s26;
	s26 =	simm.s32 $0xB0;
	s13 =	simm.s32 $0x64B0  }
0x14: {  	s4 =	sadd.s32 s4, s0;
	s0 =	sadd.s32 s14, s0;
	[dreg:$0x5] =	wrdreg s11  }
0x15: {  	s14 =	smul.u32 $0x4E20, s17;
	[dreg:$0xa] =	wrdreg s24;
	s23 =	sadd.s32 $0x17200, s0  }
.Ltmp0:
0x16: {  	s4 =	sadd.s32 $0xC3A00, s4;
	[dreg:$0x7] =	wrdreg s23;
	(pc) =	sbr.rel .LBB2_1-.Ltmp0, $4  }
0x17: {  	v0 =	vlaneseq.u32;
	v8 =	vimm.f32 $0.0e+00;
	s24 =	simm.s32 $0x60;
	s0 =	sadd.s32 $0x1C200, s0;
	[dreg:$0x8] =	wrdreg s4  }
0x18: {  	vm0 =	vcmask $0x300;
	v1 =	vor.u32 $0x10, v0;
	v2 =	vor.u32 $0x20, v0;
	[dreg:$0x9] =	wrdreg s0;
	s4 =	sshrl.u32 s3, $0x3;
	s3 =	simm.s32 $0x0  }
0x19: {  	v3 =	vor.u32 $0x30, v0;
	v4 =	vor.u32 $0x40, v0;
	v5 =	vor.u32 $0x50, v0;
	s11 =	simm.s32 $0x88;
	s17 =	simm.s32 $0x78B0;
	[dreg:$0xe] =	wrdreg s3  }
0x1a: {  	v6 =	vor.u32 $0x60, v0;
	v7 =	vor.u32 $0x70, v0;
	v8 =	vsel vm0, $0x3F800000, v8;
	s23 =	simm.s32 $0x8;
	s0 =	simm.s32 $0x38;
	[dreg:$0xc] =	wrdreg s4  }
.LBB2_10:
0x1b: {  	[bflag:$0x0] =	sbarrier.arrive $0xFFFF  }
0x1c: {  	s3 =	rddreg [dreg:$0x8]  }
0x1d: {  	s19 =	rddreg [dreg:$0xb]  }
0x1e: {  	s1 =	rddreg [dreg:$0xc]  }
0x1f: {  	[hbm:s3], [sflag:s19] =	dma.local [spmem:s1], $0x2800  }
0x20: {  	_ =	swait.ge [sflag:s18], $0x2800  }
0x21: {  	[sflag:s18] =	ssyncset.done $0x0;
	s3 =	rddreg [dreg:$0x6]  }
0x22: {  	s4 =	rddreg [dreg:$0x9];
	[sflag:s18] =	ssyncadd.s32 $0xFFFFD800;
	s3 =	sshrl.u32 @!p1 s3, $0x3  }
0x23: {  	[hbm:s4], [sflag:s19] =	dma.local @!p1 [spmem:s3], $0x500  }
0x24: {  	s3 =	simm.s32 @!p1 $0x7  }
0x25: {  	_ =	swait.ge @!p1 [sflag:s3], $0x500  }
0x26: {  	s11 =	rddreg [dreg:$0xe]  }
0x27: {  	s4 =	rddreg [dreg:$0xa];
	s11 =	sadd.s32 $0x1, s11  }
0x28: {  	p2 =	sne.s32 s11, s4  }
.Ltmp1:
0x29: {  	_ = 	snop;
	(pc) =	sbr.rel @!p2 .LBB2_11-.Ltmp1, $4  }
0x2a: {  	_ = 	snop  }
0x2b: {  	[sflag:s3] =	ssyncset.done @!p1 $0x0  }
0x2c: {  	[sflag:s3] =	ssyncadd.s32 @!p1 $0xFFFFFB00  }
0x2d: {  	[dreg:$0xe] =	wrdreg s11;
	s11 =	simm.s32 $0x88;
	s4 =	smov.u32 s1  }
.LBB2_1:
0x2e: {  	s3 =	rddreg [dreg:$0x1]  }
0x2f: {  	[tilespmem:s5], [sflag:$0x7] =	stream.linear.gather [hbm4b:s3+s5], $0x10, $0x38;
	[tilespmem:$0x1E5B0] =	vst v63  }
0x30: {  	_ =	swait.ge [sflag:s18], $0x10  }
0x31: {  	[sflag:s18] =	ssyncset.done $0x0  }
0x32: {  	s1 =	rddreg [dreg:$0x5];
	[sflag:s18] =	ssyncadd.s32 $0xFFFFFFF0  }
0x33: {  	[spmem:s4], [sflag:s19] =	dma.local [hbm:s1], $0x2800  }
0x34: {  	_ =	swait.ge [sflag:s18], $0x2800  }
0x35: {  	[sflag:s18] =	ssyncset.done $0x0;
	s4 =	rddreg [dreg:$0x7]  }
0x36: {  	s1 =	rddreg [dreg:$0xd];
	[sflag:s18] =	ssyncadd.s32 $0xFFFFD800  }
0x37: {  	[spmem:s1], [sflag:s19] =	dma.local [hbm:s4], $0x500  }
.Ltmp2:
0x38: {  	_ =	swait.ge [sflag:s18], $0x500;
	(pc) =	sbr.rel .LBB2_2-.Ltmp2, $4  }
0x39: {  	[sflag:s18] =	ssyncset.done $0x0  }
0x3a: {  	[sflag:s18] =	ssyncadd.s32 $0xFFFFFB00  }
0x3b: {  	[bflag:$0x0] =	sbarrier.arrive $0xFFFF  }
0x3c: {  	s19 =	simm.s32 $0x0;
	s1 =	simm.s32 $0x14B0  }
.LBB2_3:
0x3d: {  	[tilespmem:s26], [sflag:$0x1] =	stream.indirect.gather [hbm4b:s8+s25], $0x80, s22, s25, $0xb8;
	[tilespmem:$0x1E5B0] =	vst v63  }
0x3e: {  	_ =	swait.ge [sflag:s28], $0x2800  }
0x3f: {  	[sflag:s28] =	ssyncset.done $0x0  }
0x40: {  	[sflag:s28] =	ssyncadd.s32 $0xFFFFD800  }
0x41: {  	[spmem:s2] =	stream.indirect.scatter.add.f32 [tilespmem:s26], [sflag:$0x8], $0x80, s24, s25, $0xb8;
	[tilespmem:$0x1E5B0] =	vst v63  }
0x42: {  	_ =	swait.ge [sflag:s23], $0x2800  }
0x43: {  	[sflag:s23] =	ssyncset.done $0x0  }
0x44: {  	[sflag:s23] =	ssyncadd.s32 $0xFFFFD800  }
.LBB2_9:
0x45: {  	s19 =	sadd.s32 $0x1, s19  }
0x46: {  	p2 =	sne.s32 s19, $0xFA  }
.Ltmp3:
0x47: {  	_ = 	snop;
	(pc) =	sbr.rel @!p2 .LBB2_10-.Ltmp3, $1  }
0x48: {  	_ =	sdelay $0x3  }
.LBB2_2:
0x49: {  	s3 =	smul.u32 $0x50, s19;
	_ =	sdelay $0x1  }
0x4a: {  	s3 =	sadd.s32 s14, s3  }
0x4b: {  	s3 =	sshrl.u32 s3, $0x3  }
0x4c: {  	s4 =	sadd.s32 s9, s3  }
0x4d: {  	[tilespmem:s22], [sflag:$0x8] =	stream.linear.gather [hbm4b:s4+s5], $0x50, $0x38;
	[tilespmem:$0x1E5B0] =	vst v63  }
0x4e: {  	_ =	swait.ge [sflag:s23], $0x50  }
0x4f: {  	[sflag:s23] =	ssyncset.done $0x0  }
.Ltmp4:
0x50: {  	s3 =	sadd.s32 s10, s3;
	[sflag:s23] =	ssyncadd.s32 $0xFFFFFFB0;
	(pc) =	sbr.rel @!p0 .LBB2_3-.Ltmp4, $4  }
0x51: {  	[tilespmem:s24], [sflag:$0x8] =	stream.linear.gather [hbm4b:s3+s5], $0x50, $0x38;
	[tilespmem:$0x1E5B0] =	vst v63  }
0x52: {  	_ =	swait.ge [sflag:s23], $0x50  }
0x53: {  	[sflag:s23] =	ssyncset.done $0x0  }
0x54: {  	[sflag:s23] =	ssyncadd.s32 $0xFFFFFFB0  }
0x55: {  	[tilespmem:s26], [sflag:$0x1] =	stream.indirect.gather [hbm4b:s6+s29], $0x80, s22, s29, $0xb8;
	[tilespmem:$0x1E5B0] =	vst v63  }
0x56: {  	_ = 	snop  }
0x57: {  	[tilespmem:s30], [sflag:$0x3] =	stream.indirect.gather [hbm4b:s7+s29], $0x80, s22, s29, $0xb8;
	[tilespmem:$0x1E5B0] =	vst v63  }
0x58: {  	_ = 	snop  }
0x59: {  	[tilespmem:s31], [sflag:$0x2] =	stream.indirect.gather [hbm4b:s7+s29], $0x80, s24, s29, $0xb8;
	[tilespmem:$0x1E5B0] =	vst v63  }
0x5a: {  	_ = 	snop  }
0x5b: {  	[tilespmem:s1], [sflag:$0x4] =	stream.indirect.gather [hbm4b:s6+s29], $0x80, s0, s29, $0xb8;
	[tilespmem:$0x1E5B0] =	vst v63  }
0x5c: {  	s3 =	simm.s32 $0x3CB0  }
0x5d: {  	[tilespmem:s3], [sflag:$0x6] =	stream.indirect.gather [hbm4b:s7+s29], $0x80, s0, s29, $0xb8;
	[tilespmem:$0x1E5B0] =	vst v63  }
0x5e: {  	_ = 	snop  }
0x5f: {  	[tilespmem:s13], [sflag:$0x5] =	stream.indirect.gather [hbm4b:s7+s29], $0x80, s11, s29, $0xb8;
	[tilespmem:$0x1E5B0] =	vst v63  }
0x60: {  	_ =	swait.ge [sflag:s28], $0x1400  }
0x61: {  	s4 =	simm.s32 $0x0;
	[sflag:s28] =	ssyncset.done $0x0  }
0x62: {  	v9 =	vmov s4;
	[sflag:s28] =	ssyncadd.s32 $0xFFFFEC00  }
0x63: {  	v10 =	vshll.u32 v9, $0x7;
	_ =	swait.ge [sflag:s15], $0x1400  }
0x64: {  	v11 =	vor.u32 v0, v10;
	[sflag:s15] =	ssyncset.done $0x0  }
0x65: {  	[sflag:s15] =	ssyncadd.s32 $0xFFFFEC00  }
0x66: {  	v12 =	vor.u32 v1, v10;
	_ =	swait.ge [sflag:s16], $0x1400  }
0x67: {  	[sflag:s16] =	ssyncset.done $0x0  }
0x68: {  	v13 =	vor.u32 v2, v10;
	[sflag:s16] =	ssyncadd.s32 $0xFFFFEC00  }
0x69: {  	v14 =	vld.idx.msk [tilespmem:v11+s30+$0x0], $0xffff  }
0x6a: {  	v16 =	vor.u32 v3, v10;
	v15 =	vld.idx.msk [tilespmem:v11+s31+$0x0], $0xffff  }
0x6b: {  	v17 =	vld.idx.msk [tilespmem:v12+s31+$0x0], $0xffff  }
0x6c: {  	v19 =	vor.u32 v4, v10;
	v18 =	vld.idx.msk [tilespmem:v12+s30+$0x0], $0xffff  }
0x6d: {  	v20 =	vld.idx.msk [tilespmem:v13+s30+$0x0], $0xffff  }
0x6e: {  	v22 =	vor.u32 v5, v10;
	v21 =	vld.idx.msk [tilespmem:v13+s31+$0x0], $0xffff  }
0x6f: {  	v23 =	vld.idx.msk [tilespmem:v16+s31+$0x0], $0xffff;
	v14 =	vmul.f32 v15, v14  }
0x70: {  	v24 =	vor.u32 v6, v10;
	v15 =	vld.idx.msk [tilespmem:v16+s30+$0x0], $0xffff  }
0x71: {  	v25 =	vld.idx.msk [tilespmem:v19+s31+$0x0], $0xffff;
	v17 =	vmul.f32 v17, v18;
	v14 =	vadd.f32 $0.0e+00, v14  }
0x72: {  	v10 =	vor.u32 v7, v10;
	v18 =	vld.idx.msk [tilespmem:v19+s30+$0x0], $0xffff  }
0x73: {  	v26 =	vld.idx.msk [tilespmem:v22+s31+$0x0], $0xffff;
	v14 =	vadd.f32 v17, v14;
	v17 =	vmul.f32 v21, v20  }
0x74: {  	v20 =	vld.idx.msk [tilespmem:v22+s30+$0x0], $0xffff  }
0x75: {  	v62 =	vld.idx.msk [tilespmem:v24+s31+$0x0], $0xffff;
	v15 =	vmul.f32 v23, v15;
	v14 =	vadd.f32 v17, v14  }
0x76: {  	v17 =	vld.idx.msk [tilespmem:v24+s30+$0x0], $0xffff  }
0x77: {  	v63 =	vld.idx.msk [tilespmem:v10+s31+$0x0], $0xffff;
	v14 =	vadd.f32 v15, v14;
	v15 =	vmul.f32 v25, v18  }
0x78: {  	v18 =	vld.idx.msk [tilespmem:v10+s30+$0x0], $0xffff  }
0x79: {  	v14 =	vadd.f32 v15, v14;
	v15 =	vmul.f32 v26, v20;
	_ =	sdelay $0x1  }
0x7a: {  	v14 =	vadd.f32 v15, v14;
	v15 =	vmul.f32 v62, v17;
	_ =	sdelay $0x1  }
0x7b: {  	v14 =	vadd.f32 v15, v14;
	v15 =	vmul.f32 v63, v18;
	_ =	sdelay $0x1  }
0x7c: {  	v14 =	vadd.f32 v15, v14;
	_ =	sdelay $0x1  }
0x7d: {  	(xrf2) =	vadd.scan.msk.f32 $0xffff, v14;
	_ =	sdelay $0x7  }
0x7e: {  	v14 =	vld [tilespmem:$0x0];
	_ =	sdelay $0x1  }
0x7f: {  	v15, _, _ =	vpop (xrf2)  }
0x80: {  	v15 =	vbroadcast v15, $0xF;
	_ =	sdelay $0x1  }
0x81: {  	v14 =	vmul.f32 v15, v14;
	_ =	sdelay $0x1  }
0x82: {  	v14 =	vmul.f32 $1.442695020e+00, v14;
	_ =	sdelay $0x1  }
0x83: {  	(erf) = vpow2.f32 v14;
	_ =	sdelay $0x4  }
0x84: {  	v14 =	vld.idx.msk [tilespmem:v11+s26+$0x0], $0xffff;
	_ =	sdelay $0x3  }
0x85: {  	v15 =	vpop (erf)  }
0x86: {  	v14 =	vmul.f32 v15, v14;
	_ =	sdelay $0x1  }
0x87: {  	[tilespmem:v11+s31+$0x0] =	vst.idx.msk $0xffff, v14  }
0x88: {  	v11 =	vld.idx.msk [tilespmem:v12+s26+$0x0], $0xffff;
	_ =	sdelay $0x4  }
0x89: {  	v11 =	vmul.f32 v15, v11;
	_ =	sdelay $0x1  }
0x8a: {  	[tilespmem:v12+s31+$0x0] =	vst.idx.msk $0xffff, v11  }
0x8b: {  	v11 =	vld.idx.msk [tilespmem:v13+s26+$0x0], $0xffff;
	_ =	sdelay $0x4  }
0x8c: {  	v11 =	vmul.f32 v15, v11;
	_ =	sdelay $0x1  }
0x8d: {  	[tilespmem:v13+s31+$0x0] =	vst.idx.msk $0xffff, v11  }
0x8e: {  	v11 =	vld.idx.msk [tilespmem:v16+s26+$0x0], $0xffff;
	_ =	sdelay $0x4  }
0x8f: {  	v11 =	vmul.f32 v11, v15;
	_ =	sdelay $0x1  }
0x90: {  	[tilespmem:v16+s31+$0x0] =	vst.idx.msk $0xffff, v11  }
0x91: {  	v11 =	vld.idx.msk [tilespmem:v19+s26+$0x0], $0xffff;
	_ =	sdelay $0x4  }
0x92: {  	v11 =	vmul.f32 v11, v15;
	_ =	sdelay $0x1  }
0x93: {  	[tilespmem:v19+s31+$0x0] =	vst.idx.msk $0xffff, v11  }
0x94: {  	v11 =	vld.idx.msk [tilespmem:v22+s26+$0x0], $0xffff;
	_ =	sdelay $0x4  }
0x95: {  	v11 =	vmul.f32 v11, v15;
	_ =	sdelay $0x1  }
0x96: {  	[tilespmem:v22+s31+$0x0] =	vst.idx.msk $0xffff, v11  }
0x97: {  	v11 =	vld.idx.msk [tilespmem:v24+s26+$0x0], $0xffff;
	_ =	sdelay $0x4  }
0x98: {  	v11 =	vmul.f32 v11, v15;
	_ =	sdelay $0x1  }
0x99: {  	[tilespmem:v24+s31+$0x0] =	vst.idx.msk $0xffff, v11  }
0x9a: {  	v14 =	vld.idx.msk [tilespmem:v10+s26+$0x0], $0xffff  }
0x9b: {  	s4 =	simm.s32 $0x1  }
0x9c: {  	v13 =	vshll.u32 v9, $0x4;
	v11 =	vmov s4  }
0x9d: {  	v13 =	vor.u32 v0, v13;
	v19 =	vshll.u32 v11, $0x7  }
0x9e: {  	v18 =	vmul.f32 v8, v15;
	v12 =	vor.u32 v0, v19  }
0x9f: {  	s3 =	simm.s32 $0x2;
	v9 =	vshll.u32 v11, $0x4;
	v11 =	vor.u32 v1, v19;
	v14 =	vmul.f32 v14, v15  }
.LBB2_5:
0xa0: {  	p2 =	sne.s32 s3, $0x27;
	s4 =	smov.u32 s3;
	s3 =	sadd.s32 $0x1, s3  }
0xa1: {  	[tilespmem:v10+s31+$0x0] =	vst.idx.msk $0xffff, v14  }
0xa2: {  	v17 =	vor.u32 v2, v19;
	[tilespmem:v13+s17+$0x0] =	vst.idx.msk $0xffff, v18  }
0xa3: {  	v10 =	vld.idx.msk [tilespmem:v12+s30+$0x0], $0xffff  }
0xa4: {  	v16 =	vor.u32 v3, v19;
	v13 =	vld.idx.msk [tilespmem:v12+s31+$0x0], $0xffff  }
0xa5: {  	v18 =	vld.idx.msk [tilespmem:v11+s31+$0x0], $0xffff  }
0xa6: {  	v15 =	vor.u32 v4, v19;
	v20 =	vld.idx.msk [tilespmem:v11+s30+$0x0], $0xffff  }
0xa7: {  	v21 =	vld.idx.msk [tilespmem:v17+s30+$0x0], $0xffff  }
0xa8: {  	v14 =	vor.u32 v5, v19;
	v22 =	vld.idx.msk [tilespmem:v17+s31+$0x0], $0xffff  }
0xa9: {  	v23 =	vld.idx.msk [tilespmem:v16+s31+$0x0], $0xffff  }
0xaa: {  	v10 =	vmul.f32 v13, v10;
	v13 =	vor.u32 v6, v19;
	v24 =	vld.idx.msk [tilespmem:v16+s30+$0x0], $0xffff  }
0xab: {  	v25 =	vld.idx.msk [tilespmem:v15+s31+$0x0], $0xffff  }
0xac: {  	v26 =	vadd.f32 $0.0e+00, v10;
	v18 =	vmul.f32 v18, v20;
	v10 =	vor.u32 v7, v19;
	v20 =	vld.idx.msk [tilespmem:v15+s30+$0x0], $0xffff  }
0xad: {  	v19 =	vld.idx.msk [tilespmem:v14+s31+$0x0], $0xffff  }
0xae: {  	v18 =	vadd.f32 v18, v26;
	v21 =	vmul.f32 v22, v21;
	v22 =	vld.idx.msk [tilespmem:v14+s30+$0x0], $0xffff  }
0xaf: {  	v26 =	vld.idx.msk [tilespmem:v13+s31+$0x0], $0xffff  }
0xb0: {  	v18 =	vadd.f32 v21, v18;
	v21 =	vmul.f32 v23, v24;
	v23 =	vld.idx.msk [tilespmem:v13+s30+$0x0], $0xffff  }
0xb1: {  	v24 =	vld.idx.msk [tilespmem:v10+s31+$0x0], $0xffff  }
0xb2: {  	v18 =	vadd.f32 v21, v18;
	v20 =	vmul.f32 v25, v20;
	v21 =	vld.idx.msk [tilespmem:v10+s30+$0x0], $0xffff;
	_ =	sdelay $0x1  }
0xb3: {  	v18 =	vadd.f32 v20, v18;
	v19 =	vmul.f32 v19, v22;
	_ =	sdelay $0x1  }
0xb4: {  	v18 =	vadd.f32 v19, v18;
	v19 =	vmul.f32 v26, v23;
	_ =	sdelay $0x1  }
0xb5: {  	v18 =	vadd.f32 v19, v18;
	v19 =	vmul.f32 v24, v21;
	_ =	sdelay $0x1  }
0xb6: {  	v18 =	vadd.f32 v19, v18;
	_ =	sdelay $0x1  }
0xb7: {  	(xrf2) =	vadd.scan.msk.f32 $0xffff, v18;
	_ =	sdelay $0x7  }
0xb8: {  	v18 =	vld [tilespmem:$0x0];
	_ =	sdelay $0x1  }
0xb9: {  	v19, _, _ =	vpop (xrf2)  }
0xba: {  	v19 =	vbroadcast v19, $0xF;
	_ =	sdelay $0x1  }
0xbb: {  	v18 =	vmul.f32 v19, v18;
	_ =	sdelay $0x1  }
0xbc: {  	v18 =	vmul.f32 $1.442695020e+00, v18;
	_ =	sdelay $0x1  }
0xbd: {  	(erf) = vpow2.f32 v18;
	_ =	sdelay $0x3  }
0xbe: {  	v18 =	vld.idx.msk [tilespmem:v12+s26+$0x0], $0xffff;
	_ =	sdelay $0x4  }
0xbf: {  	v20 =	vpop (erf)  }
0xc0: {  	v19 =	vmul.f32 v20, v18;
	v18 =	vmul.f32 v8, v20;
	_ =	sdelay $0x1  }
0xc1: {  	[tilespmem:v12+s31+$0x0] =	vst.idx.msk $0xffff, v19  }
0xc2: {  	v12 =	vld.idx.msk [tilespmem:v11+s26+$0x0], $0xffff;
	_ =	sdelay $0x5  }
0xc3: {  	v12 =	vmul.f32 v20, v12;
	_ =	sdelay $0x1  }
0xc4: {  	[tilespmem:v11+s31+$0x0] =	vst.idx.msk $0xffff, v12  }
0xc5: {  	v11 =	vld.idx.msk [tilespmem:v17+s26+$0x0], $0xffff;
	_ =	sdelay $0x5  }
0xc6: {  	v11 =	vmul.f32 v20, v11;
	_ =	sdelay $0x1  }
0xc7: {  	[tilespmem:v17+s31+$0x0] =	vst.idx.msk $0xffff, v11  }
0xc8: {  	v11 =	vld.idx.msk [tilespmem:v16+s26+$0x0], $0xffff;
	_ =	sdelay $0x5  }
0xc9: {  	v11 =	vmul.f32 v11, v20;
	_ =	sdelay $0x1  }
0xca: {  	[tilespmem:v16+s31+$0x0] =	vst.idx.msk $0xffff, v11  }
0xcb: {  	v11 =	vld.idx.msk [tilespmem:v15+s26+$0x0], $0xffff;
	_ =	sdelay $0x5  }
0xcc: {  	v11 =	vmul.f32 v11, v20;
	_ =	sdelay $0x1  }
0xcd: {  	[tilespmem:v15+s31+$0x0] =	vst.idx.msk $0xffff, v11  }
0xce: {  	v11 =	vld.idx.msk [tilespmem:v14+s26+$0x0], $0xffff;
	_ =	sdelay $0x5  }
0xcf: {  	v11 =	vmul.f32 v11, v20;
	_ =	sdelay $0x1  }
0xd0: {  	[tilespmem:v14+s31+$0x0] =	vst.idx.msk $0xffff, v11  }
0xd1: {  	v11 =	vld.idx.msk [tilespmem:v13+s26+$0x0], $0xffff;
	_ =	sdelay $0x5  }
0xd2: {  	v11 =	vmul.f32 v11, v20;
	_ =	sdelay $0x1  }
0xd3: {  	[tilespmem:v13+s31+$0x0] =	vst.idx.msk $0xffff, v11  }
0xd4: {  	v14 =	vld.idx.msk [tilespmem:v10+s26+$0x0], $0xffff;
	_ =	sdelay $0x1  }
.Ltmp5:
0xd5: {  	v11 =	vmov s4;
	(pc) =	sbr.rel @p2 .LBB2_5-.Ltmp5, $3  }
0xd6: {  	v19 =	vshll.u32 v11, $0x7;
	v11 =	vshll.u32 v11, $0x4  }
0xd7: {  	v13 =	vor.u32 v0, v9;
	v12 =	vor.u32 v0, v19;
	v9 =	vmov v11;
	_ =	sdelay $0x1  }
0xd8: {  	v11 =	vor.u32 v1, v19;
	v14 =	vmul.f32 v14, v20  }
0xd9: {  	_ =	sdelay $0x3  }
0xda: {  	[tilespmem:v10+s31+$0x0] =	vst.idx.msk $0xffff, v14  }
0xdb: {  	v10 =	vor.u32 v2, v19;
	[tilespmem:v13+s17+$0x0] =	vst.idx.msk $0xffff, v18  }
0xdc: {  	v13 =	vld.idx.msk [tilespmem:v12+s30+$0x0], $0xffff  }
0xdd: {  	v15 =	vor.u32 v3, v19;
	v14 =	vld.idx.msk [tilespmem:v12+s31+$0x0], $0xffff  }
0xde: {  	v16 =	vld.idx.msk [tilespmem:v11+s31+$0x0], $0xffff  }
0xdf: {  	v18 =	vor.u32 v4, v19;
	v17 =	vld.idx.msk [tilespmem:v11+s30+$0x0], $0xffff  }
0xe0: {  	v20 =	vld.idx.msk [tilespmem:v10+s30+$0x0], $0xffff  }
0xe1: {  	v22 =	vor.u32 v5, v19;
	v21 =	vld.idx.msk [tilespmem:v10+s31+$0x0], $0xffff  }
0xe2: {  	v23 =	vld.idx.msk [tilespmem:v15+s31+$0x0], $0xffff;
	v13 =	vmul.f32 v14, v13  }
0xe3: {  	v24 =	vor.u32 v6, v19;
	v14 =	vld.idx.msk [tilespmem:v15+s30+$0x0], $0xffff  }
0xe4: {  	v25 =	vld.idx.msk [tilespmem:v18+s31+$0x0], $0xffff;
	v16 =	vmul.f32 v16, v17;
	v13 =	vadd.f32 $0.0e+00, v13  }
0xe5: {  	v19 =	vor.u32 v7, v19;
	v17 =	vld.idx.msk [tilespmem:v18+s30+$0x0], $0xffff  }
0xe6: {  	v26 =	vld.idx.msk [tilespmem:v22+s31+$0x0], $0xffff;
	v13 =	vadd.f32 v16, v13;
	v16 =	vmul.f32 v21, v20  }
0xe7: {  	v20 =	vld.idx.msk [tilespmem:v22+s30+$0x0], $0xffff  }
0xe8: {  	v54 =	vld.idx.msk [tilespmem:v24+s31+$0x0], $0xffff;
	v14 =	vmul.f32 v23, v14;
	v13 =	vadd.f32 v16, v13  }
0xe9: {  	v16 =	vld.idx.msk [tilespmem:v24+s30+$0x0], $0xffff  }
0xea: {  	v55 =	vld.idx.msk [tilespmem:v19+s31+$0x0], $0xffff;
	v13 =	vadd.f32 v14, v13;
	v14 =	vmul.f32 v25, v17  }
0xeb: {  	v17 =	vld.idx.msk [tilespmem:v19+s30+$0x0], $0xffff  }
0xec: {  	v13 =	vadd.f32 v14, v13;
	v14 =	vmul.f32 v26, v20;
	_ =	sdelay $0x1  }
0xed: {  	v13 =	vadd.f32 v14, v13;
	v14 =	vmul.f32 v54, v16;
	_ =	sdelay $0x1  }
0xee: {  	v13 =	vadd.f32 v14, v13;
	v14 =	vmul.f32 v55, v17;
	_ =	sdelay $0x1  }
0xef: {  	v13 =	vadd.f32 v14, v13;
	_ =	sdelay $0x1  }
0xf0: {  	(xrf2) =	vadd.scan.msk.f32 $0xffff, v13;
	_ =	sdelay $0x7  }
0xf1: {  	v13 =	vld [tilespmem:$0x0];
	_ =	sdelay $0x1  }
0xf2: {  	v14, _, _ =	vpop (xrf2)  }
0xf3: {  	v14 =	vbroadcast v14, $0xF;
	_ =	sdelay $0x1  }
0xf4: {  	v13 =	vmul.f32 v14, v13;
	_ =	sdelay $0x1  }
0xf5: {  	v13 =	vmul.f32 $1.442695020e+00, v13;
	_ =	sdelay $0x1  }
0xf6: {  	(erf) = vpow2.f32 v13;
	_ =	sdelay $0x4  }
0xf7: {  	v13 =	vld.idx.msk [tilespmem:v12+s26+$0x0], $0xffff;
	_ =	sdelay $0x3  }
0xf8: {  	v14 =	vpop (erf)  }
0xf9: {  	v13 =	vmul.f32 v14, v13;
	_ =	sdelay $0x1  }
0xfa: {  	[tilespmem:v12+s31+$0x0] =	vst.idx.msk $0xffff, v13  }
0xfb: {  	v12 =	vld.idx.msk [tilespmem:v11+s26+$0x0], $0xffff;
	_ =	sdelay $0x4  }
0xfc: {  	v12 =	vmul.f32 v14, v12;
	_ =	sdelay $0x1  }
0xfd: {  	[tilespmem:v11+s31+$0x0] =	vst.idx.msk $0xffff, v12  }
0xfe: {  	v11 =	vld.idx.msk [tilespmem:v10+s26+$0x0], $0xffff;
	_ =	sdelay $0x4  }
0xff: {  	v11 =	vmul.f32 v14, v11;
	_ =	sdelay $0x1  }
0x100: {  	[tilespmem:v10+s31+$0x0] =	vst.idx.msk $0xffff, v11  }
0x101: {  	v10 =	vld.idx.msk [tilespmem:v15+s26+$0x0], $0xffff;
	_ =	sdelay $0x4  }
0x102: {  	v10 =	vmul.f32 v10, v14;
	_ =	sdelay $0x1  }
0x103: {  	[tilespmem:v15+s31+$0x0] =	vst.idx.msk $0xffff, v10  }
0x104: {  	v10 =	vld.idx.msk [tilespmem:v18+s26+$0x0], $0xffff;
	_ =	sdelay $0x4  }
0x105: {  	v10 =	vmul.f32 v10, v14;
	_ =	sdelay $0x1  }
0x106: {  	[tilespmem:v18+s31+$0x0] =	vst.idx.msk $0xffff, v10  }
0x107: {  	v10 =	vld.idx.msk [tilespmem:v22+s26+$0x0], $0xffff;
	_ =	sdelay $0x4  }
0x108: {  	v10 =	vmul.f32 v10, v14;
	_ =	sdelay $0x1  }
0x109: {  	[tilespmem:v22+s31+$0x0] =	vst.idx.msk $0xffff, v10  }
0x10a: {  	v10 =	vld.idx.msk [tilespmem:v24+s26+$0x0], $0xffff;
	_ =	sdelay $0x4  }
0x10b: {  	v10 =	vmul.f32 v10, v14;
	_ =	sdelay $0x1  }
0x10c: {  	[tilespmem:v24+s31+$0x0] =	vst.idx.msk $0xffff, v10  }
0x10d: {  	v10 =	vld.idx.msk [tilespmem:v19+s26+$0x0], $0xffff;
	_ =	sdelay $0x2  }
0x10e: {  	v9 =	vor.u32 v0, v9;
	_ =	sdelay $0x1  }
0x10f: {  	v10 =	vmul.f32 v10, v14  }
0x110: {  	v11 =	vmul.f32 v8, v14  }
0x111: {  	[tilespmem:v19+s31+$0x0] =	vst.idx.msk $0xffff, v10  }
0x112: {  	[tilespmem:v9+s17+$0x0] =	vst.idx.msk $0xffff, v11  }
0x113: {  	_ =	swait.ge [sflag:s21], $0x1400  }
0x114: {  	s3 =	simm.s32 $0x28;
	[sflag:s21] =	ssyncset.done $0x0  }
0x115: {  	v9 =	vmov s3;
	[sflag:s21] =	ssyncadd.s32 $0xFFFFEC00  }
0x116: {  	v10 =	vshll.u32 v9, $0x7;
	_ =	swait.ge [sflag:s12], $0x1400  }
0x117: {  	v11 =	vor.u32 v0, v10;
	[sflag:s12] =	ssyncset.done $0x0  }
0x118: {  	[sflag:s12] =	ssyncadd.s32 $0xFFFFEC00  }
0x119: {  	v12 =	vor.u32 v1, v10;
	_ =	swait.ge [sflag:s20], $0x1400  }
0x11a: {  	[sflag:s20] =	ssyncset.done $0x0  }
0x11b: {  	v13 =	vor.u32 v2, v10;
	[sflag:s20] =	ssyncadd.s32 $0xFFFFEC00  }
0x11c: {  	v14 =	vld.idx.msk [tilespmem:v11+s30+$0x0], $0xffff  }
0x11d: {  	v16 =	vor.u32 v3, v10;
	v15 =	vld.idx.msk [tilespmem:v11+s31+$0x0], $0xffff  }
0x11e: {  	v17 =	vld.idx.msk [tilespmem:v12+s31+$0x0], $0xffff  }
0x11f: {  	v19 =	vor.u32 v4, v10;
	v18 =	vld.idx.msk [tilespmem:v12+s30+$0x0], $0xffff  }
0x120: {  	v20 =	vld.idx.msk [tilespmem:v13+s30+$0x0], $0xffff  }
0x121: {  	v57 =	vor.u32 v5, v10;
	v56 =	vld.idx.msk [tilespmem:v13+s31+$0x0], $0xffff  }
0x122: {  	v58 =	vld.idx.msk [tilespmem:v16+s31+$0x0], $0xffff;
	v14 =	vmul.f32 v15, v14  }
0x123: {  	v59 =	vor.u32 v6, v10;
	v15 =	vld.idx.msk [tilespmem:v16+s30+$0x0], $0xffff  }
0x124: {  	v60 =	vld.idx.msk [tilespmem:v19+s31+$0x0], $0xffff;
	v17 =	vmul.f32 v17, v18;
	v14 =	vadd.f32 $0.0e+00, v14  }
0x125: {  	v10 =	vor.u32 v7, v10;
	v18 =	vld.idx.msk [tilespmem:v19+s30+$0x0], $0xffff  }
0x126: {  	v61 =	vld.idx.msk [tilespmem:v57+s31+$0x0], $0xffff;
	v14 =	vadd.f32 v17, v14;
	v17 =	vmul.f32 v56, v20  }
0x127: {  	v20 =	vld.idx.msk [tilespmem:v57+s30+$0x0], $0xffff  }
0x128: {  	v62 =	vld.idx.msk [tilespmem:v59+s31+$0x0], $0xffff;
	v15 =	vmul.f32 v58, v15;
	v14 =	vadd.f32 v17, v14  }
0x129: {  	v17 =	vld.idx.msk [tilespmem:v59+s30+$0x0], $0xffff  }
0x12a: {  	v63 =	vld.idx.msk [tilespmem:v10+s31+$0x0], $0xffff;
	v14 =	vadd.f32 v15, v14;
	v15 =	vmul.f32 v60, v18  }
0x12b: {  	v18 =	vld.idx.msk [tilespmem:v10+s30+$0x0], $0xffff  }
0x12c: {  	v14 =	vadd.f32 v15, v14;
	v15 =	vmul.f32 v61, v20;
	_ =	sdelay $0x1  }
0x12d: {  	v14 =	vadd.f32 v15, v14;
	v15 =	vmul.f32 v62, v17;
	_ =	sdelay $0x1  }
0x12e: {  	v14 =	vadd.f32 v15, v14;
	v15 =	vmul.f32 v63, v18;
	_ =	sdelay $0x1  }
0x12f: {  	v14 =	vadd.f32 v15, v14;
	_ =	sdelay $0x1  }
0x130: {  	(xrf2) =	vadd.scan.msk.f32 $0xffff, v14;
	_ =	sdelay $0x7  }
0x131: {  	v14 =	vld [tilespmem:$0x0];
	_ =	sdelay $0x1  }
0x132: {  	v15, _, _ =	vpop (xrf2)  }
0x133: {  	v15 =	vbroadcast v15, $0xF;
	_ =	sdelay $0x1  }
0x134: {  	v14 =	vmul.f32 v15, v14;
	_ =	sdelay $0x1  }
0x135: {  	v14 =	vmul.f32 $1.442695020e+00, v14;
	_ =	sdelay $0x1  }
0x136: {  	(erf) = vpow2.f32 v14;
	_ =	sdelay $0x4  }
0x137: {  	v14 =	vld.idx.msk [tilespmem:v11+s26+$0x0], $0xffff;
	_ =	sdelay $0x3  }
0x138: {  	v15 =	vpop (erf)  }
0x139: {  	v14 =	vmul.f32 v15, v14;
	_ =	sdelay $0x1  }
0x13a: {  	[tilespmem:v11+s31+$0x0] =	vst.idx.msk $0xffff, v14  }
0x13b: {  	v11 =	vld.idx.msk [tilespmem:v12+s26+$0x0], $0xffff;
	_ =	sdelay $0x4  }
0x13c: {  	v11 =	vmul.f32 v15, v11;
	_ =	sdelay $0x1  }
0x13d: {  	[tilespmem:v12+s31+$0x0] =	vst.idx.msk $0xffff, v11  }
0x13e: {  	v11 =	vld.idx.msk [tilespmem:v13+s26+$0x0], $0xffff;
	_ =	sdelay $0x4  }
0x13f: {  	v11 =	vmul.f32 v15, v11;
	_ =	sdelay $0x1  }
0x140: {  	[tilespmem:v13+s31+$0x0] =	vst.idx.msk $0xffff, v11  }
0x141: {  	v11 =	vld.idx.msk [tilespmem:v16+s26+$0x0], $0xffff;
	_ =	sdelay $0x4  }
0x142: {  	v11 =	vmul.f32 v11, v15;
	_ =	sdelay $0x1  }
0x143: {  	[tilespmem:v16+s31+$0x0] =	vst.idx.msk $0xffff, v11  }
0x144: {  	v11 =	vld.idx.msk [tilespmem:v19+s26+$0x0], $0xffff;
	_ =	sdelay $0x4  }
0x145: {  	v11 =	vmul.f32 v11, v15;
	_ =	sdelay $0x1  }
0x146: {  	[tilespmem:v19+s31+$0x0] =	vst.idx.msk $0xffff, v11  }
0x147: {  	v11 =	vld.idx.msk [tilespmem:v57+s26+$0x0], $0xffff;
	_ =	sdelay $0x4  }
0x148: {  	v11 =	vmul.f32 v11, v15;
	_ =	sdelay $0x1  }
0x149: {  	[tilespmem:v57+s31+$0x0] =	vst.idx.msk $0xffff, v11  }
0x14a: {  	v11 =	vld.idx.msk [tilespmem:v59+s26+$0x0], $0xffff;
	_ =	sdelay $0x4  }
0x14b: {  	v11 =	vmul.f32 v11, v15;
	_ =	sdelay $0x1  }
0x14c: {  	[tilespmem:v59+s31+$0x0] =	vst.idx.msk $0xffff, v11  }
0x14d: {  	v14 =	vld.idx.msk [tilespmem:v10+s26+$0x0], $0xffff  }
0x14e: {  	s4 =	simm.s32 $0x29  }
0x14f: {  	v13 =	vshll.u32 v9, $0x4;
	v11 =	vmov s4  }
0x150: {  	v13 =	vor.u32 v0, v13;
	v19 =	vshll.u32 v11, $0x7  }
0x151: {  	v18 =	vmul.f32 v8, v15;
	v12 =	vor.u32 v0, v19  }
0x152: {  	s3 =	simm.s32 $0x2A;
	v9 =	vshll.u32 v11, $0x4;
	v11 =	vor.u32 v1, v19;
	v14 =	vmul.f32 v14, v15  }
.LBB2_7:
0x153: {  	p2 =	sne.s32 s3, $0x4F;
	s4 =	smov.u32 s3;
	s3 =	sadd.s32 $0x1, s3  }
0x154: {  	[tilespmem:v10+s31+$0x0] =	vst.idx.msk $0xffff, v14  }
0x155: {  	v17 =	vor.u32 v2, v19;
	[tilespmem:v13+s17+$0x0] =	vst.idx.msk $0xffff, v18  }
0x156: {  	v10 =	vld.idx.msk [tilespmem:v12+s30+$0x0], $0xffff  }
0x157: {  	v16 =	vor.u32 v3, v19;
	v13 =	vld.idx.msk [tilespmem:v12+s31+$0x0], $0xffff  }
0x158: {  	v18 =	vld.idx.msk [tilespmem:v11+s31+$0x0], $0xffff  }
0x159: {  	v15 =	vor.u32 v4, v19;
	v20 =	vld.idx.msk [tilespmem:v11+s30+$0x0], $0xffff  }
0x15a: {  	v21 =	vld.idx.msk [tilespmem:v17+s30+$0x0], $0xffff  }
0x15b: {  	v14 =	vor.u32 v5, v19;
	v22 =	vld.idx.msk [tilespmem:v17+s31+$0x0], $0xffff  }
0x15c: {  	v23 =	vld.idx.msk [tilespmem:v16+s31+$0x0], $0xffff  }
0x15d: {  	v10 =	vmul.f32 v13, v10;
	v13 =	vor.u32 v6, v19;
	v24 =	vld.idx.msk [tilespmem:v16+s30+$0x0], $0xffff  }
0x15e: {  	v25 =	vld.idx.msk [tilespmem:v15+s31+$0x0], $0xffff  }
0x15f: {  	v26 =	vadd.f32 $0.0e+00, v10;
	v18 =	vmul.f32 v18, v20;
	v10 =	vor.u32 v7, v19;
	v20 =	vld.idx.msk [tilespmem:v15+s30+$0x0], $0xffff  }
0x160: {  	v19 =	vld.idx.msk [tilespmem:v14+s31+$0x0], $0xffff  }
0x161: {  	v18 =	vadd.f32 v18, v26;
	v21 =	vmul.f32 v22, v21;
	v22 =	vld.idx.msk [tilespmem:v14+s30+$0x0], $0xffff  }
0x162: {  	v26 =	vld.idx.msk [tilespmem:v13+s31+$0x0], $0xffff  }
0x163: {  	v18 =	vadd.f32 v21, v18;
	v21 =	vmul.f32 v23, v24;
	v23 =	vld.idx.msk [tilespmem:v13+s30+$0x0], $0xffff  }
0x164: {  	v24 =	vld.idx.msk [tilespmem:v10+s31+$0x0], $0xffff  }
0x165: {  	v18 =	vadd.f32 v21, v18;
	v20 =	vmul.f32 v25, v20;
	v21 =	vld.idx.msk [tilespmem:v10+s30+$0x0], $0xffff;
	_ =	sdelay $0x1  }
0x166: {  	v18 =	vadd.f32 v20, v18;
	v19 =	vmul.f32 v19, v22;
	_ =	sdelay $0x1  }
0x167: {  	v18 =	vadd.f32 v19, v18;
	v19 =	vmul.f32 v26, v23;
	_ =	sdelay $0x1  }
0x168: {  	v18 =	vadd.f32 v19, v18;
	v19 =	vmul.f32 v24, v21;
	_ =	sdelay $0x1  }
0x169: {  	v18 =	vadd.f32 v19, v18;
	_ =	sdelay $0x1  }
0x16a: {  	(xrf2) =	vadd.scan.msk.f32 $0xffff, v18;
	_ =	sdelay $0x7  }
0x16b: {  	v18 =	vld [tilespmem:$0x0];
	_ =	sdelay $0x1  }
0x16c: {  	v19, _, _ =	vpop (xrf2)  }
0x16d: {  	v19 =	vbroadcast v19, $0xF;
	_ =	sdelay $0x1  }
0x16e: {  	v18 =	vmul.f32 v19, v18;
	_ =	sdelay $0x1  }
0x16f: {  	v18 =	vmul.f32 $1.442695020e+00, v18;
	_ =	sdelay $0x1  }
0x170: {  	(erf) = vpow2.f32 v18;
	_ =	sdelay $0x3  }
0x171: {  	v18 =	vld.idx.msk [tilespmem:v12+s26+$0x0], $0xffff;
	_ =	sdelay $0x4  }
0x172: {  	v20 =	vpop (erf)  }
0x173: {  	v19 =	vmul.f32 v20, v18;
	v18 =	vmul.f32 v8, v20;
	_ =	sdelay $0x1  }
0x174: {  	[tilespmem:v12+s31+$0x0] =	vst.idx.msk $0xffff, v19  }
0x175: {  	v12 =	vld.idx.msk [tilespmem:v11+s26+$0x0], $0xffff;
	_ =	sdelay $0x5  }
0x176: {  	v12 =	vmul.f32 v20, v12;
	_ =	sdelay $0x1  }
0x177: {  	[tilespmem:v11+s31+$0x0] =	vst.idx.msk $0xffff, v12  }
0x178: {  	v11 =	vld.idx.msk [tilespmem:v17+s26+$0x0], $0xffff;
	_ =	sdelay $0x5  }
0x179: {  	v11 =	vmul.f32 v20, v11;
	_ =	sdelay $0x1  }
0x17a: {  	[tilespmem:v17+s31+$0x0] =	vst.idx.msk $0xffff, v11  }
0x17b: {  	v11 =	vld.idx.msk [tilespmem:v16+s26+$0x0], $0xffff;
	_ =	sdelay $0x5  }
0x17c: {  	v11 =	vmul.f32 v11, v20;
	_ =	sdelay $0x1  }
0x17d: {  	[tilespmem:v16+s31+$0x0] =	vst.idx.msk $0xffff, v11  }
0x17e: {  	v11 =	vld.idx.msk [tilespmem:v15+s26+$0x0], $0xffff;
	_ =	sdelay $0x5  }
0x17f: {  	v11 =	vmul.f32 v11, v20;
	_ =	sdelay $0x1  }
0x180: {  	[tilespmem:v15+s31+$0x0] =	vst.idx.msk $0xffff, v11  }
0x181: {  	v11 =	vld.idx.msk [tilespmem:v14+s26+$0x0], $0xffff;
	_ =	sdelay $0x5  }
0x182: {  	v11 =	vmul.f32 v11, v20;
	_ =	sdelay $0x1  }
0x183: {  	[tilespmem:v14+s31+$0x0] =	vst.idx.msk $0xffff, v11  }
0x184: {  	v11 =	vld.idx.msk [tilespmem:v13+s26+$0x0], $0xffff;
	_ =	sdelay $0x5  }
0x185: {  	v11 =	vmul.f32 v11, v20;
	_ =	sdelay $0x1  }
0x186: {  	[tilespmem:v13+s31+$0x0] =	vst.idx.msk $0xffff, v11  }
0x187: {  	v14 =	vld.idx.msk [tilespmem:v10+s26+$0x0], $0xffff;
	_ =	sdelay $0x1  }
.Ltmp6:
0x188: {  	v11 =	vmov s4;
	(pc) =	sbr.rel @p2 .LBB2_7-.Ltmp6, $3  }
0x189: {  	v19 =	vshll.u32 v11, $0x7;
	v11 =	vshll.u32 v11, $0x4  }
0x18a: {  	v13 =	vor.u32 v0, v9;
	v12 =	vor.u32 v0, v19;
	v9 =	vmov v11;
	_ =	sdelay $0x1  }
0x18b: {  	v11 =	vor.u32 v1, v19;
	v14 =	vmul.f32 v14, v20  }
0x18c: {  	_ =	sdelay $0x3  }
0x18d: {  	[tilespmem:v10+s31+$0x0] =	vst.idx.msk $0xffff, v14  }
0x18e: {  	v10 =	vor.u32 v2, v19;
	[tilespmem:v13+s17+$0x0] =	vst.idx.msk $0xffff, v18  }
0x18f: {  	v13 =	vld.idx.msk [tilespmem:v12+s30+$0x0], $0xffff  }
0x190: {  	v15 =	vor.u32 v3, v19;
	v14 =	vld.idx.msk [tilespmem:v12+s31+$0x0], $0xffff  }
0x191: {  	v16 =	vld.idx.msk [tilespmem:v11+s31+$0x0], $0xffff  }
0x192: {  	v46 =	vor.u32 v4, v19;
	v17 =	vld.idx.msk [tilespmem:v11+s30+$0x0], $0xffff  }
0x193: {  	v20 =	vld.idx.msk [tilespmem:v10+s30+$0x0], $0xffff  }
0x194: {  	v22 =	vor.u32 v5, v19;
	v21 =	vld.idx.msk [tilespmem:v10+s31+$0x0], $0xffff  }
0x195: {  	v23 =	vld.idx.msk [tilespmem:v15+s31+$0x0], $0xffff;
	v13 =	vmul.f32 v14, v13  }
0x196: {  	v24 =	vor.u32 v6, v19;
	v47 =	vld.idx.msk [tilespmem:v15+s30+$0x0], $0xffff  }
0x197: {  	v25 =	vld.idx.msk [tilespmem:v46+s31+$0x0], $0xffff;
	v16 =	vmul.f32 v16, v17;
	v13 =	vadd.f32 $0.0e+00, v13  }
0x198: {  	v49 =	vor.u32 v7, v19;
	v48 =	vld.idx.msk [tilespmem:v46+s30+$0x0], $0xffff  }
0x199: {  	v26 =	vld.idx.msk [tilespmem:v22+s31+$0x0], $0xffff;
	v50 =	vmul.f32 v21, v20;
	v13 =	vadd.f32 v16, v13  }
0x19a: {  	v51 =	vld.idx.msk [tilespmem:v22+s30+$0x0], $0xffff  }
0x19b: {  	v52 =	vld.idx.msk [tilespmem:v24+s31+$0x0], $0xffff;
	v14 =	vmul.f32 v23, v47;
	v13 =	vadd.f32 v50, v13  }
0x19c: {  	v53 =	vld.idx.msk [tilespmem:v24+s30+$0x0], $0xffff  }
0x19d: {  	v54 =	vld.idx.msk [tilespmem:v49+s31+$0x0], $0xffff;
	v55 =	vmul.f32 v25, v48;
	v13 =	vadd.f32 v14, v13  }
0x19e: {  	v56 =	vld.idx.msk [tilespmem:v49+s30+$0x0], $0xffff  }
0x19f: {  	v57 =	vmul.f32 v26, v51;
	v13 =	vadd.f32 v55, v13;
	_ =	sdelay $0x1  }
0x1a0: {  	v58 =	vmul.f32 v52, v53;
	v13 =	vadd.f32 v57, v13;
	_ =	sdelay $0x1  }
0x1a1: {  	v59 =	vmul.f32 v54, v56;
	v13 =	vadd.f32 v58, v13;
	_ =	sdelay $0x1  }
0x1a2: {  	v13 =	vadd.f32 v59, v13;
	_ =	sdelay $0x1  }
0x1a3: {  	(xrf2) =	vadd.scan.msk.f32 $0xffff, v13;
	_ =	sdelay $0x7  }
0x1a4: {  	v60 =	vld [tilespmem:$0x0];
	_ =	sdelay $0x1  }
0x1a5: {  	v61, _, _ =	vpop (xrf2)  }
0x1a6: {  	v14 =	vbroadcast v61, $0xF;
	_ =	sdelay $0x1  }
0x1a7: {  	v13 =	vmul.f32 v14, v60;
	_ =	sdelay $0x1  }
0x1a8: {  	v13 =	vmul.f32 $1.442695020e+00, v13;
	_ =	sdelay $0x1  }
0x1a9: {  	(erf) = vpow2.f32 v13;
	_ =	sdelay $0x4  }
0x1aa: {  	v62 =	vld.idx.msk [tilespmem:v12+s26+$0x0], $0xffff;
	_ =	sdelay $0x3  }
0x1ab: {  	v63 =	vpop (erf)  }
0x1ac: {  	v13 =	vmul.f32 v63, v62;
	_ =	sdelay $0x1  }
0x1ad: {  	[tilespmem:v12+s31+$0x0] =	vst.idx.msk $0xffff, v13  }
0x1ae: {  	v12 =	vld.idx.msk [tilespmem:v11+s26+$0x0], $0xffff;
	_ =	sdelay $0x4  }
0x1af: {  	v12 =	vmul.f32 v63, v12;
	_ =	sdelay $0x1  }
0x1b0: {  	[tilespmem:v11+s31+$0x0] =	vst.idx.msk $0xffff, v12  }
0x1b1: {  	v11 =	vld.idx.msk [tilespmem:v10+s26+$0x0], $0xffff;
	_ =	sdelay $0x4  }
0x1b2: {  	v11 =	vmul.f32 v63, v11;
	_ =	sdelay $0x1  }
0x1b3: {  	[tilespmem:v10+s31+$0x0] =	vst.idx.msk $0xffff, v11  }
0x1b4: {  	v10 =	vld.idx.msk [tilespmem:v15+s26+$0x0], $0xffff;
	_ =	sdelay $0x4  }
0x1b5: {  	v10 =	vmul.f32 v10, v63;
	_ =	sdelay $0x1  }
0x1b6: {  	[tilespmem:v15+s31+$0x0] =	vst.idx.msk $0xffff, v10  }
0x1b7: {  	v10 =	vld.idx.msk [tilespmem:v46+s26+$0x0], $0xffff;
	_ =	sdelay $0x4  }
0x1b8: {  	v10 =	vmul.f32 v10, v63;
	_ =	sdelay $0x1  }
0x1b9: {  	[tilespmem:v46+s31+$0x0] =	vst.idx.msk $0xffff, v10  }
0x1ba: {  	v10 =	vld.idx.msk [tilespmem:v22+s26+$0x0], $0xffff;
	_ =	sdelay $0x4  }
0x1bb: {  	v10 =	vmul.f32 v10, v63;
	_ =	sdelay $0x1  }
0x1bc: {  	[tilespmem:v22+s31+$0x0] =	vst.idx.msk $0xffff, v10  }
0x1bd: {  	v10 =	vld.idx.msk [tilespmem:v24+s26+$0x0], $0xffff;
	_ =	sdelay $0x4  }
0x1be: {  	v10 =	vmul.f32 v10, v63;
	_ =	sdelay $0x1  }
0x1bf: {  	[tilespmem:v24+s31+$0x0] =	vst.idx.msk $0xffff, v10  }
0x1c0: {  	v10 =	vld.idx.msk [tilespmem:v49+s26+$0x0], $0xffff;
	_ =	sdelay $0x2  }
0x1c1: {  	v9 =	vor.u32 v0, v9;
	_ =	sdelay $0x1  }
0x1c2: {  	v10 =	vmul.f32 v10, v63  }
0x1c3: {  	v11 =	vmul.f32 v8, v63  }
0x1c4: {  	[tilespmem:v49+s31+$0x0] =	vst.idx.msk $0xffff, v10  }
0x1c5: {  	[tilespmem:v9+s17+$0x0] =	vst.idx.msk $0xffff, v11  }
0x1c6: {  	[spmem:s2] =	stream.indirect.scatter.add.f32 [tilespmem:s31], [sflag:$0x8], $0x80, s24, s25, $0xb8;
	[tilespmem:$0x1E5B0] =	vst v63  }
0x1c7: {  	_ =	swait.ge [sflag:s23], $0x2800  }
0x1c8: {  	[sflag:s23] =	ssyncset.done $0x0  }
0x1c9: {  	[sflag:s23] =	ssyncadd.s32 $0xFFFFD800  }
.Ltmp7:
0x1ca: {  	s3 =	rddreg [dreg:$0x3];
	(pc) =	sbr.rel .LBB2_9-.Ltmp7, $4  }
0x1cb: {  	[spmem:s3] =	stream.indirect.scatter.add.f32 [tilespmem:s17], [sflag:$0x7], $0x10, s24, s25, $0xb8;
	[tilespmem:$0x1E5B0] =	vst v63  }
0x1cc: {  	_ =	swait.ge [sflag:s18], $0x500  }
0x1cd: {  	[sflag:s18] =	ssyncset.done $0x0  }
0x1ce: {  	[sflag:s18] =	ssyncadd.s32 $0xFFFFFB00  }
.LBB2_11:
0x1cf: {  	_ =	sfence.sel $0x180000  }
0x1d0: {  	[bflag:$0x0] =	sbarrier.arrive $0xFFFF  }
0x1d1: {  	_ =	strace $0x9000004A  }
0x1d2: {  	s0 =	stileid.u32;
	[bflag:$0x2] =	sbarrier.arrive $0xFFFF  }
0x1d3: {  	p0 =	sne.s32 s0, $0x0;
	s0 =	rddreg [dreg:$0x4]  }
0x1d4: {  	s0 =	sadd.s32 @!p0 $0x100000, s0  }
0x1d5: {  	[sflag:s0] =	ssyncadd.tile.s32 @!p0 $0x1;
	_ =	shalt  }
.Lfunc_end2:
_tile_overlayer_lowered:
.L_overlay_start_2:
0x1d6: {  	(tag) =	ssettag $0x2  }
0x1d7: {  	s0 =	rddreg [dreg:$0x0];
	s2 =	stileid.u32  }
0x1d8: {  	s1 =	rddreg [dreg:$0x1];
	p0 =	sne.s32 s2, $0x0  }
0x1d9: {  	s3 =	rddreg [dreg:$0x2];
	[bflag:$0x3] =	sbarrier.arrive $0xFFFF;
	s2 =	simm.s32 @!p0 $0x1C07  }
0x1da: {  	[timem:s3], [sflag:s2] =	dma.local @!p0 [hbm:s0], s1  }
0x1db: {  	s0 =	simm.s32 @!p0 $0x7  }
0x1dc: {  	_ =	swait.ge @!p0 [sflag:s0], s1  }
0x1dd: {  	s1 =	ssub.s32 @!p0 $0x0, s1;
	[sflag:s0] =	ssyncset.done @!p0 $0x0  }
0x1de: {  	[sflag:s0] =	ssyncadd.s32 @!p0 s1  }
0x1df: {  	[bflag:$0x3] =	sbarrier.arrive $0xFFFF  }
0x1e0: {  	_ =	shalt  }

// kernel: kernel.7.cloned.1.call-start
scs
__scs_entry_jumppad:
0x0: {  	(pc) =	sbr.rel $0x88, $3  }
0x1: {  	(tag) =	ssettag $0x0;
	lr =	simm.s32 $0x1  }
0x2: {  	[smem:$0x3F8E] =	sst lr;
	_ =	strace $0xD0000000  }
0x3: {  	_ = 	snop  }
0x4: {  	_ = 	snop  }
0x5: {  	_ = 	snop  }
0x6: {  	_ = 	snop  }
0x7: {  	_ = 	snop  }
__scs_overlays_trampoline_lowered:
0x8: {  	[smem:$0x3F9D] =	sst s0  }
0x9: {  	[smem:$0x3F9E] =	sst s1  }
0xa: {  	[smem:$0x3F9F] =	sst s2  }
0xb: {  	[smem:$0x3FA0] =	sst s3  }
0xc: {  	[smem:$0x3FA1] =	sst s4  }
0xd: {  	[smem:$0x3FA2] =	sst s5  }
0xe: {  	[smem:$0x3FA3] =	sst s6  }
0xf: {  	[smem:$0x3FA4] =	sst s7  }
0x10: {  	[smem:$0x3FA5] =	sst s8  }
0x11: {  	[smem:$0x3FA6] =	sst s9;
	s0 =	simm.s32 @!p0 $0x0  }
0x12: {  	s1 =	sld [smem:$0x3F8C];
	s0 =	simm.s32 @p0 $0x1  }
0x13: {  	[smem:$0x3FA7] =	sst s0;
	s0 =	simm.s32 @!p1 $0x0  }
0x14: {  	s2 =	sld [smem:$0x3F8B];
	s0 =	simm.s32 @p1 $0x1  }
0x15: {  	[smem:$0x3FA8] =	sst s0;
	s0 =	simm.s32 @!p2 $0x0  }
0x16: {  	s3 =	sld [smem:$0x3FDB];
	s0 =	simm.s32 @p2 $0x1  }
0x17: {  	s4 =	simm.s32 $0x1BF5;
	[smem:$0x3FAA] =	sst s0  }
0x18: {  	s0 =	sld [smem:$0x3F8D];
	_ =	swait.ge [sflag:s4], $0x0  }
0x19: {  	s7 =	sld [smem:$0x3F8E]  }
0x1a: {  	s8 =	sadd.s32 $0xFFFFE003, lr  }
0x1b: {  	s9 =	sadd.s32 $0xFFFFFEF7, lr;
	s5 =	simm.s32 $0xFFFFFFFF;
	p2 =	slt.u32 s8, $0xFFFFF086  }
0x1c: {  	p1 =	slt.u32 s9, $0xF7A;
	s5 =	simm.s32 @!p2 $0x0  }
0x1d: {  	s5 =	simm.s32 @p1 $0x1;
	p0 =	seq.s32 s7, s2  }
0x1e: {  	s7 =	smul.u32 @!p0 $0xF7A, s2;
	p2 =	seq.s32 @!p0 s5, $0x0  }
0x1f: {  	s9 =	smul.u32 $0xF7A, s1;
	s8 =	simm.s32 @!p0 $0x1BF5;
	p2 =	por !p2, p0  }
0x20: {  	[sflag:s8] =	ssyncset.s32 @!p0 $0xFFFFF086;
	s6 =	sadd.s32 @!p0 s3, s7;
	s7 =	simm.s32 @!p0 $0x108  }
0x21: {  	s3 =	sadd.s32 s3, s9;
	s6 =	sadd.s32 @!p0 $0x88, s6;
	s7 =	simm.s32 @p2 $0x1082  }
0x22: {  	[simem:s7], [sflag:s8] =	dma.local @!p0 [hbm:s6], $0xF7A  }
0x23: {  	s9 =	sor.u32 $0xD0000000, s2;
	s6 =	simm.s32 $0x108;
	_ =	swait.ge @!p0 [sflag:s8], $0x0  }
0x24: {  	s3 =	sadd.s32 $0x88, s3;
	s6 =	simm.s32 @!p1 $0x1082;
	[sflag:s4] =	ssyncset.s32 $0xFFFFF086  }
0x25: {  	[simem:s6], [sflag:s4] =	dma.local [hbm:s3], $0xF7A  }
0x26: {  	[smem:$0x3F8E] =	sst s1;
	(tag) =	ssettag s2;
	_ =	strace s9  }
0x27: {  	s1 =	sld [smem:$0x3F9E]  }
0x28: {  	s2 =	sld [smem:$0x3F9F]  }
0x29: {  	s4 =	sld [smem:$0x3FA1]  }
0x2a: {  	p0 =	seq.s32 s5, $0x0;
	s5 =	sld [smem:$0x3FA2]  }
0x2b: {  	s6 =	sld [smem:$0x3FA3]  }
0x2c: {  	s7 =	sld [smem:$0x3FA4]  }
0x2d: {  	s3 =	simm.s32 $0x108;
	s8 =	sld [smem:$0x3FA5]  }
0x2e: {  	s3 =	simm.s32 @!p0 $0x1082;
	s9 =	sld [smem:$0x3FA6]  }
0x2f: {  	lr =	sadd.s32 s0, s3;
	s0 =	sld [smem:$0x3F9D]  }
0x30: {  	s3 =	sld [smem:$0x3FA0]  }
0x31: {  	[smem:$0x3FA9] =	sst s10  }
0x32: {  	s10 =	sld [smem:$0x3FA7];
	_ =	sdelay $0x3  }
0x33: {  	p0 =	seq.s32 s10, $0x1;
	s10 =	sld [smem:$0x3FA9];
	_ =	sdelay $0x3  }
0x34: {  	[smem:$0x3FA9] =	sst s10  }
0x35: {  	s10 =	sld [smem:$0x3FA8];
	_ =	sdelay $0x3  }
0x36: {  	p1 =	seq.s32 s10, $0x1;
	s10 =	sld [smem:$0x3FA9];
	_ =	sdelay $0x3  }
0x37: {  	[smem:$0x3FA9] =	sst s10  }
0x38: {  	s10 =	sld [smem:$0x3FAA]  }
0x39: {  	_ = 	snop;
	(pc) =	sbr.ind lr, $3  }
0x3a: {  	_ = 	snop  }
0x3b: {  	_ = 	snop  }
0x3c: {  	p2 =	seq.s32 s10, $0x1;
	s10 =	sld [smem:$0x3FA9]  }
0x3d: {  	_ =	shalt  }
0x3e: {  	_ =	shalt  }
0x3f: {  	_ =	shalt  }
0x40: {  	_ =	shalt  }
0x41: {  	_ =	shalt  }
0x42: {  	_ =	shalt  }
0x43: {  	_ =	shalt  }
0x44: {  	_ =	shalt  }
0x45: {  	_ =	shalt  }
0x46: {  	_ =	shalt  }
0x47: {  	_ =	shalt  }
0x48: {  	_ =	shalt  }
0x49: {  	_ =	shalt  }
0x4a: {  	_ =	shalt  }
0x4b: {  	_ =	shalt  }
0x4c: {  	_ =	shalt  }
0x4d: {  	_ =	shalt  }
0x4e: {  	_ =	shalt  }
0x4f: {  	_ =	shalt  }
0x50: {  	_ =	shalt  }
0x51: {  	_ =	shalt  }
0x52: {  	_ =	shalt  }
0x53: {  	_ =	shalt  }
0x54: {  	_ =	shalt  }
0x55: {  	_ =	shalt  }
0x56: {  	_ =	shalt  }
0x57: {  	_ =	shalt  }
0x58: {  	_ =	shalt  }
0x59: {  	_ =	shalt  }
0x5a: {  	_ =	shalt  }
0x5b: {  	_ =	shalt  }
0x5c: {  	_ =	shalt  }
0x5d: {  	_ =	shalt  }
0x5e: {  	_ =	shalt  }
0x5f: {  	_ =	shalt  }
0x60: {  	_ =	shalt  }
0x61: {  	_ =	shalt  }
0x62: {  	_ =	shalt  }
0x63: {  	_ =	shalt  }
0x64: {  	_ =	shalt  }
0x65: {  	_ =	shalt  }
0x66: {  	_ =	shalt  }
0x67: {  	_ =	shalt  }
0x68: {  	_ =	shalt  }
0x69: {  	_ =	shalt  }
0x6a: {  	_ =	shalt  }
0x6b: {  	_ =	shalt  }
0x6c: {  	_ =	shalt  }
0x6d: {  	_ =	shalt  }
0x6e: {  	_ =	shalt  }
0x6f: {  	_ =	shalt  }
0x70: {  	_ =	shalt  }
0x71: {  	_ =	shalt  }
0x72: {  	_ =	shalt  }
0x73: {  	_ =	shalt  }
0x74: {  	_ =	shalt  }
0x75: {  	_ =	shalt  }
0x76: {  	_ =	shalt  }
0x77: {  	_ =	shalt  }
0x78: {  	_ =	shalt  }
0x79: {  	_ =	shalt  }
0x7a: {  	_ =	shalt  }
0x7b: {  	_ =	shalt  }
0x7c: {  	_ =	shalt  }
0x7d: {  	_ =	shalt  }
0x7e: {  	_ =	shalt  }
0x7f: {  	_ =	shalt  }
0x80: {  	_ =	shalt  }
0x81: {  	_ =	shalt  }
0x82: {  	_ =	shalt  }
0x83: {  	_ =	shalt  }
0x84: {  	_ =	shalt  }
0x85: {  	_ =	shalt  }
0x86: {  	_ =	shalt  }
0x87: {  	_ =	shalt  }
.Lfunc_end0:
.L_simem_size_0:
called_computation_lowered:
.L_overlay_start_0:
0x88: {  	s2 =	sld [smem:$0x3FD9]  }
0x89: {  	s3 =	sld [smem:$0x3FFE];
	_ =	sdelay $0x1  }
0x8a: {  	s1 =	srdreg.scid  }
0x8b: {  	s0 =	sand.u32 $0x1, s1  }
0x8c: {  	s17 =	sshll.u32 s0, $0xA;
	s2 =	sadd.s32 s3, s2  }
0x8d: {  	s2 =	sadd.s32 s2, s17  }
0x8e: {  	[smem:$0x3FB5] =	sst s2  }
0x8f: {  	_ = 	snop  }
0x90: {  	s2 =	sld [smem:$0x3FD0];
	(tm) =	ssettm $0x1  }
0x91: {  	s18 =	sld [smem:$0x3FFB];
	_ =	sdelay $0x3  }
0x92: {  	_ =	strace s18  }
0x93: {  	s3 =	sld [smem:$0x3FFC];
	_ =	sdelay $0x3  }
0x94: {  	_ =	strace s3  }
0x95: {  	s3 =	sld [smem:$0x3FFD];
	_ =	sdelay $0x3  }
0x96: {  	_ =	strace s3  }
0x97: {  	_ =	strace $0x8FFFFFFF  }
0x98: {  	s19 =	sld [smem:$0x3FDB];
	_ =	sdelay $0x1  }
0x99: {  	s4 =	simm.s32 $_scs_section_size  }
0x9a: {  	s5 =	simm.s32 $_size__tile_overlayer_lowered;
	s6 =	simm.s32 $_tile_overlayer_lowered  }
0x9b: {  	s22 =	simm.s32 $0x1BFF;
	s21 =	sshll.u32 s6, $0x1;
	s3 =	sadd.s32 s4, s19  }
0x9c: {  	s7 =	simm.s32 $0x0;
	s20 =	sshll.u32 s5, $0x1;
	s5 =	sadd.s32 s21, s3  }
0x9d: {  	[timem:s7], [sflag:s22] =	dma.local [hbm:s5], s20  }
0x9e: {  	_ =	swait.ge [sflag:s22], s20  }
0x9f: {  	s4 =	ssub.s32 $0x0, s20;
	[sflag:s22] =	ssyncset.done $0x0  }
0xa0: {  	[sflag:s22] =	ssyncadd.s32 s4;
	_ =	sdelay $0x1  }
0xa1: {  	s23 =	simm.s32 $0x1B8B  }
0xa2: {  	_ =	swait.ge [sflag:s23], $0x1  }
0xa3: {  	[sflag:s23] =	ssyncset.done $0x0  }
0xa4: {  	s25 =	simm.s32 $0x1B8E;
	s24 =	sld [smem:$0x3FFE];
	[sflag:s23] =	ssyncadd.s32 $0xFFFFFFFF  }
0xa5: {  	s26 =	simm.s32 $execute0_lowered;
	[smem:$0x3FD2] =	sst s25  }
0xa6: {  	s5 =	sshll.u32 s26, $0x1;
	_ =	strace $0x80000046;
	[dreg:$0x1] =	wrdreg $0xFFFFFFFF  }
0xa7: {  	s28 =	simm.s32 $_size_execute0_lowered;
	s3 =	sadd.s32 s3, s5;
	[dreg:$0x0] =	wrdreg $0x0  }
0xa8: {  	s5 =	sshll.u32 s28, $0x1;
	[dreg:$0x2] =	wrdreg s3  }
0xa9: {  	[dreg:$0x3] =	wrdreg s5  }
0xaa: {  	[dreg:$0x4] =	wrdreg $0xC0  }
0xab: {  	_ =	task [dreg:s7], $0x5FFFF  }
0xac: {  	[dreg:$0x1] =	wrdreg $0xFFFFFFFF  }
0xad: {  	[dreg:$0x0] =	wrdreg $0x60  }
0xae: {  	[dreg:$0x2] =	wrdreg s24  }
0xaf: {  	[dreg:$0x3] =	wrdreg s2  }
0xb0: {  	[dreg:$0x4] =	wrdreg $0x5500  }
0xb1: {  	[dreg:$0x5] =	wrdreg $0x9  }
0xb2: {  	_ =	task.clear_ibuf [dreg:s7], $0x6FFFF;
	_ =	strace $0x90000046  }
0xb3: {  	s29 =	simm.s32 $0x9;
	_ =	strace $0x80000048  }
0xb4: {  	_ =	swait.ge [sflag:s29], $0x1  }
0xb5: {  	[sflag:s29] =	ssyncadd.s32 $0xFFFFFFFF  }
0xb6: {  	_ =	strace $0x90000048  }
0xb7: {  	_ =	sfence  }
0xb8: {  	s30 =	sld [smem:$0x0];
	_ =	sdelay $0x2  }
0xb9: {  	s31 =	sshll.u32 s1, $0xD;
	s1 =	sshrl.u32 s1, $0x2  }
0xba: {  	s3 =	sand.u32 $0x4000, s31;
	s1 =	sadd.s32 s1, s30  }
0xbb: {  	s0 =	sor.u32 s3, s0;
	s1 =	sshll.u32 s1, $0x11  }
0xbc: {  	s0 =	sor.u32 s1, s0  }
0xbd: {  	s0 =	sadd.s32 $0x8F2B, s0  }
0xbe: {  	[sflag:s0] =	ssyncadd.remote.s32 $0x1  }
0xbf: {  	_ =	sfence.sel $0xFFFF  }
0xc0: {  	[dreg:$0x0] =	wrdreg $0xFFFFFFFF;
	(pc) =	sbr.abs _section_cstart, $3  }
0xc1: {  	[dreg:$0x1] =	wrdreg $0xFFFFFFFF  }
0xc2: {  	_ =	task.clear_ibuf [dreg:s7], $0x2FFFF;
	_ =	strace $0x9FFFFFFF  }
0xc3: {  	(tm) =	ssettm $0x7FFFFFFF  }
tec
execute0_lowered:
.L_overlay_start_1:
0x0: {  	(tag) =	ssettag $0x1  }
0x1: {  	s5 =	rddreg [dreg:$0x0]  }
0x2: {  	s0 =	srdreg.scid;
	s2 =	rddreg [dreg:$0x1]  }
0x3: {  	s3 =	rddreg [dreg:$0x2];
	s6 =	sand.u32 $0x1, s0  }
0x4: {  	s0 =	stileid.u32;
	s7 =	smul.u32 $0x27100, s6  }
0x5: {  	s1 =	rddreg [dreg:$0x3];
	s8 =	smul.u32 $0x2710, s0  }
0x6: {  	s4 =	simm.s32 $0x0;
	s13 =	simm.s32 $0x0;
	s9 =	smul.u32 $0x2800, s0  }
0x7: {  	[smem:$0x7FF] =	sst s4;
	s26 =	smul.u32 $0x28000, s6;
	s6 =	ssub.s32 $0x2, s6  }
0x8: {  	_ =	strace $0x80000047;
	s31 =	sshll.u32 s0, $0x6;
	s30 =	sshrl.u32 s6, $0x1  }
0x9: {  	s7 =	sadd.s32 s8, s7;
	s28 =	sadd.s32 s9, s26;
	s29 =	sshrl.u32 s9, $0x3  }
0xa: {  	s11 =	ssub.s32 s6, s30;
	s12 =	sadd.s32 s9, s3;
	s7 =	sshrl.u32 s7, $0x3  }
0xb: {  	s9 =	simm.s32 $0x50;
	s10 =	sadd.s32 s7, s5;
	s7 =	sshrl.u32 s28, $0x3  }
0xc: {  	s8 =	sadd.s32 s29, s5;
	s12 =	sshrl.u32 s12, $0x3;
	s7 =	sadd.s32 s7, s5  }
0xd: {  	s5 =	sadd.s32 $0x17200, s8;
	s8 =	sadd.s32 $0xD400, s10;
	s10 =	simm.s32 $0x1  }
0xe: {  	s6 =	sadd.s32 $0x1C200, s7;
	s7 =	smax.u32 s11, $0x1;
	s11 =	sor.u32 $0x1C01, s31  }
.LBB2_1:
0xf: {  	[tilespmem:s9], [sflag:$0x1] =	stream.linear.gather [hbm4b:s2+s4], $0x500, $0x38;
	[tilespmem:$0x2D50] =	vst v63  }
0x10: {  	_ =	swait.ge [sflag:s10], $0x500  }
0x11: {  	[sflag:s10] =	ssyncset.done $0x0  }
0x12: {  	[sflag:s10] =	ssyncadd.s32 $0xFFFFFB00  }
0x13: {  	[spmem:s12], [sflag:s11] =	dma.local [hbm:s5], $0x500  }
0x14: {  	_ =	swait.ge [sflag:s10], $0x500  }
0x15: {  	[sflag:s10] =	ssyncset.done $0x0  }
0x16: {  	[sflag:s10] =	ssyncadd.s32 $0xFFFFFB00  }
0x17: {  	s14 =	sadd.s32 $0x0, s8;
	[bflag:$0x0] =	sbarrier.arrive $0xFFFF  }
0x18: {  	[tilespmem:s4], [sflag:$0x1] =	stream.linear.gather [hbm4b:s14+s4], $0x50, $0x38;
	[tilespmem:$0x2D50] =	vst v63  }
0x19: {  	_ =	swait.ge [sflag:s10], $0x50  }
0x1a: {  	[sflag:s10] =	ssyncset.done $0x0  }
0x1b: {  	[sflag:s10] =	ssyncadd.s32 $0xFFFFFFB0  }
0x1c: {  	[spmem:s3] =	stream.indirect.scatter.add.f32 [tilespmem:s9], [sflag:$0x1], $0x10, s4, s9, $0xb8;
	[tilespmem:$0x2D50] =	vst v63  }
0x1d: {  	_ =	swait.ge [sflag:s10], $0x500  }
0x1e: {  	s15 =	simm.s32 $0x14;
	s14 =	simm.s32 $0xA;
	[sflag:s10] =	ssyncset.done $0x0  }
.LBB2_2:
0x1f: {  	s16 =	sadd.s32 s14, s8  }
0x20: {  	[sflag:s10] =	ssyncadd.s32 $0xFFFFFB00;
	s14 =	smov.u32 s15;
	s17 =	sadd.s32 $0xA, s15  }
0x21: {  	[tilespmem:s4], [sflag:$0x1] =	stream.linear.gather [hbm4b:s16+s4], $0x50, $0x38;
	[tilespmem:$0x2D50] =	vst v63  }
0x22: {  	p0 =	sne.s32 s15, $0x4D8;
	_ =	swait.ge [sflag:s10], $0x50  }
.Ltmp0:
0x23: {  	[sflag:s10] =	ssyncset.done $0x0;
	(pc) =	sbr.rel @p0 .LBB2_2-.Ltmp0, $4  }
0x24: {  	[sflag:s10] =	ssyncadd.s32 $0xFFFFFFB0  }
0x25: {  	[spmem:s3] =	stream.indirect.scatter.add.f32 [tilespmem:s9], [sflag:$0x1], $0x10, s4, s9, $0xb8;
	[tilespmem:$0x2D50] =	vst v63  }
0x26: {  	_ =	swait.ge [sflag:s10], $0x500  }
0x27: {  	s15 =	smov.u32 s17;
	[sflag:s10] =	ssyncset.done $0x0  }
0x28: {  	s14 =	sadd.s32 s14, s8;
	[sflag:s10] =	ssyncadd.s32 $0xFFFFFB00  }
0x29: {  	[tilespmem:s4], [sflag:$0x1] =	stream.linear.gather [hbm4b:s14+s4], $0x50, $0x38;
	[tilespmem:$0x2D50] =	vst v63  }
0x2a: {  	_ =	swait.ge [sflag:s10], $0x50  }
0x2b: {  	[sflag:s10] =	ssyncset.done $0x0  }
0x2c: {  	[sflag:s10] =	ssyncadd.s32 $0xFFFFFFB0  }
0x2d: {  	[spmem:s3] =	stream.indirect.scatter.add.f32 [tilespmem:s9], [sflag:$0x1], $0x10, s4, s9, $0xb8;
	[tilespmem:$0x2D50] =	vst v63  }
0x2e: {  	_ =	swait.ge [sflag:s10], $0x500  }
0x2f: {  	s13 =	sadd.s32 $0x1, s13;
	[sflag:s10] =	ssyncset.done $0x0  }
0x30: {  	p0 =	sne.s32 s13, s7;
	[sflag:s10] =	ssyncadd.s32 $0xFFFFFB00  }
.Ltmp1:
0x31: {  	[bflag:$0x0] =	sbarrier.arrive $0xFFFF;
	(pc) =	sbr.rel @p0 .LBB2_1-.Ltmp1, $4  }
0x32: {  	[hbm:s6], [sflag:s11] =	dma.local [spmem:s12], $0x500  }
0x33: {  	_ =	swait.ge [sflag:s10], $0x500  }
0x34: {  	[sflag:s10] =	ssyncset.done $0x0  }
0x35: {  	[sflag:s10] =	ssyncadd.s32 $0xFFFFFB00  }
0x36: {  	_ =	sfence.sel $0x180000  }
0x37: {  	[bflag:$0x0] =	sbarrier.arrive $0xFFFF  }
0x38: {  	p0 =	sne.s32 s0, $0x0;
	_ =	strace $0x90000047  }
0x39: {  	s0 =	sadd.s32 @!p0 $0x100000, s1;
	[bflag:$0x2] =	sbarrier.arrive $0xFFFF  }
0x3a: {  	[sflag:s0] =	ssyncadd.tile.s32 @!p0 $0x1;
	_ =	shalt  }
.Lfunc_end2:
_tile_overlayer_lowered:
.L_overlay_start_2:
0x3b: {  	(tag) =	ssettag $0x2  }
0x3c: {  	s0 =	rddreg [dreg:$0x0];
	s2 =	stileid.u32  }
0x3d: {  	s1 =	rddreg [dreg:$0x1];
	p0 =	sne.s32 s2, $0x0  }
0x3e: {  	s3 =	rddreg [dreg:$0x2];
	[bflag:$0x3] =	sbarrier.arrive $0xFFFF;
	s2 =	simm.s32 @!p0 $0x1C01  }
0x3f: {  	[timem:s3], [sflag:s2] =	dma.local @!p0 [hbm:s0], s1  }
0x40: {  	s0 =	simm.s32 @!p0 $0x1  }
0x41: {  	_ =	swait.ge @!p0 [sflag:s0], s1  }
0x42: {  	s1 =	ssub.s32 @!p0 $0x0, s1;
	[sflag:s0] =	ssyncset.done @!p0 $0x0  }
0x43: {  	[sflag:s0] =	ssyncadd.s32 @!p0 s1  }
0x44: {  	[bflag:$0x3] =	sbarrier.arrive $0xFFFF  }
0x45: {  	_ =	shalt  }

</sc_bundles>
